<compile_context>
chip_gen: v7x
topology: tpu7x:2x2x1
jax: 0.10.2.dev20260603
libtpu: 0.0.44.dev20260713+nightly
codegen_flags: <defaults>
</compile_context>

<pallas_src>
import functools

import jax
import jax.numpy as jnp
from jax import lax
from jax.experimental import pallas as pl
from jax.experimental.pallas import tpu as pltpu
from jax.experimental.pallas import tpu_sc as plsc

N_CLS = 512
NUM_PROMPT = 16
N_CTX = 12
CTX_DIM = 512
TOP_K = 4
SEQ_LEN = 77
BATCH = 4096
SUFFIX_LEN = SEQ_LEN - 1 - N_CTX * TOP_K

TOK_PAD = 128
ROWS_A = 48
ROWS_B = SEQ_LEN - ROWS_A

NUM_WORKERS = 32
PER_W = BATCH // NUM_WORKERS
TOK_CHUNK = 32
LANES = 16


def _body(ind_hbm, prob_hbm, lbl_hbm, tp_hbm, pref_hbm, suf_hbm, tok_hbm,
          out_hbm, tokout_hbm,
          lblv, indv, probv, tokbuf, c0, c1, c2, c3,
          suf_a, suf_b, pref_a, pref_b, asm_a, asm_b,
          ic, im0, im1, osem, semm):
    wid = lax.axis_index("s") * 2 + lax.axis_index("c")
    base = wid * PER_W
    ctx_stg = (c0, c1, c2, c3)
    suf_stg = (suf_a, suf_b)
    pref_stg = (pref_a, pref_b)
    imsem = (im0, im1)

    pltpu.sync_copy(lbl_hbm.at[pl.ds(base, PER_W)], lblv)
    pltpu.sync_copy(ind_hbm.at[pl.ds(base * TOP_K, PER_W * TOP_K)], indv)
    pltpu.sync_copy(prob_hbm.at[pl.ds(base * TOP_K, PER_W * TOP_K)], probv)

    for c in range(PER_W // TOK_CHUNK):
        pltpu.async_copy(tok_hbm.at[lblv.at[pl.ds(c * TOK_CHUNK, TOK_CHUNK)]],
                         tokbuf, semm).wait()
        pltpu.sync_copy(tokbuf,
                        tokout_hbm.at[pl.ds(base + c * TOK_CHUNK, TOK_CHUNK)])

    def scalars(i):
        sixteen = jnp.full((LANES,), i, jnp.int32)
        lbl = jnp.max(plsc.load_gather(lblv, [sixteen]))
        idx = [jnp.max(plsc.load_gather(
                   indv, [jnp.full((LANES,), i * TOP_K + k, jnp.int32)]))
               for k in range(TOP_K)]
        return lbl, idx

    def issue_ctx(i):
        lbl, idx = scalars(i)
        for k in range(TOP_K):
            pltpu.async_copy(tp_hbm.at[lbl, idx[k]], ctx_stg[k], ic)

    def wait_ctx():
        for k in range(TOP_K):
            pltpu.make_async_copy(tp_hbm.at[0, 0], ctx_stg[k], ic).wait()

    def issue_misc(i, ms):
        lbl, _ = scalars(i)
        pltpu.async_copy(pref_hbm.at[lbl], pref_stg[ms], imsem[ms])
        pltpu.async_copy(suf_hbm.at[lbl], suf_stg[ms], imsem[ms])

    def wait_misc(ms):
        pltpu.make_async_copy(pref_hbm.at[0], pref_stg[ms], imsem[ms]).wait()
        pltpu.make_async_copy(suf_hbm.at[0], suf_stg[ms], imsem[ms]).wait()

    def assemble(i, ms):
        for t in range(CTX_DIM // LANES):
            asm_a[0, pl.ds(t * LANES, LANES)] = \
                pref_stg[ms][0, pl.ds(t * LANES, LANES)]
        for k in range(TOP_K):
            sc = plsc.load_gather(
                probv, [jnp.full((LANES,), i * TOP_K + k, jnp.int32)])
            hi = N_CTX if k < TOP_K - 1 else N_CTX - 1

            @plsc.parallel_loop(0, hi * (CTX_DIM // LANES), step=1, unroll=8)
            def _(t, k=k, sc=sc):
                r = lax.shift_right_logical(t, 5)
                c = lax.bitwise_and(t, 31) * LANES
                asm_a[1 + k * N_CTX + r, pl.ds(c, LANES)] = \
                    ctx_stg[k][r, pl.ds(c, LANES)] * sc

            if k == TOP_K - 1:
                @plsc.parallel_loop(0, CTX_DIM // LANES, step=1, unroll=8)
                def _(t, sc=sc):
                    c = t * LANES
                    asm_b[0, pl.ds(c, LANES)] = \
                        ctx_stg[TOP_K - 1][N_CTX - 1, pl.ds(c, LANES)] * sc
        @plsc.parallel_loop(0, SUFFIX_LEN * (CTX_DIM // LANES), step=1,
                            unroll=8)
        def _(t, ms=ms):
            r = lax.shift_right_logical(t, 5)
            c = lax.bitwise_and(t, 31) * LANES
            asm_b[1 + r, pl.ds(c, LANES)] = suf_stg[ms][r, pl.ds(c, LANES)]

    def issue_scatter(i):
        b = base + i
        pltpu.async_copy(asm_a, out_hbm.at[b].at[pl.ds(0, ROWS_A), :], osem)
        pltpu.async_copy(asm_b, out_hbm.at[b].at[pl.ds(ROWS_A, ROWS_B), :],
                         osem)

    def drain_scatter():
        pltpu.make_async_copy(out_hbm.at[0].at[pl.ds(0, ROWS_A), :],
                              asm_a, osem).wait()
        pltpu.make_async_copy(out_hbm.at[0].at[pl.ds(ROWS_A, ROWS_B), :],
                              asm_b, osem).wait()

    def elem(i, carry):
        issue_ctx(i)
        issue_misc(i, 0)
        wait_ctx()
        wait_misc(0)
        assemble(i, 0)
        issue_scatter(i)
        drain_scatter()
        return carry

    lax.fori_loop(0, PER_W, elem, 0)


@jax.jit
def kernel(indices, prob, label, text_prompt, nc_token_prefix,
           nc_token_suffix, nc_tokenized_prompts):
    tok = jnp.pad(nc_tokenized_prompts, ((0, 0), (0, TOK_PAD - SEQ_LEN)))
    ind_flat = indices.reshape(BATCH * TOP_K)
    prob_flat = prob.reshape(BATCH * TOP_K)

    mesh = plsc.VectorSubcoreMesh(core_axis_name="c", subcore_axis_name="s")
    run = pl.kernel(
        _body,
        out_type=(
            jax.ShapeDtypeStruct((BATCH, SEQ_LEN, CTX_DIM), jnp.float32),
            jax.ShapeDtypeStruct((BATCH, TOK_PAD), jnp.int32),
        ),
        mesh=mesh,
        scratch_types=[
            pltpu.VMEM((PER_W,), jnp.int32),
            pltpu.VMEM((PER_W * TOP_K,), jnp.int32),
            pltpu.VMEM((PER_W * TOP_K,), jnp.float32),
            pltpu.VMEM((TOK_CHUNK, TOK_PAD), jnp.int32),
            pltpu.VMEM((N_CTX, CTX_DIM), jnp.float32),
            pltpu.VMEM((N_CTX, CTX_DIM), jnp.float32),
            pltpu.VMEM((N_CTX, CTX_DIM), jnp.float32),
            pltpu.VMEM((N_CTX, CTX_DIM), jnp.float32),
            pltpu.VMEM((SUFFIX_LEN, CTX_DIM), jnp.float32),
            pltpu.VMEM((SUFFIX_LEN, CTX_DIM), jnp.float32),
            pltpu.VMEM((1, CTX_DIM), jnp.float32),
            pltpu.VMEM((1, CTX_DIM), jnp.float32),
            pltpu.VMEM((ROWS_A, CTX_DIM), jnp.float32),
            pltpu.VMEM((ROWS_B, CTX_DIM), jnp.float32),
            pltpu.SemaphoreType.DMA,
            pltpu.SemaphoreType.DMA,
            pltpu.SemaphoreType.DMA,
            pltpu.SemaphoreType.DMA,
            pltpu.SemaphoreType.DMA,
        ],
        compiler_params=pltpu.CompilerParams(needs_layout_passes=False),
    )
    out, tok_out = run(ind_flat, prob_flat, label, text_prompt,
                       nc_token_prefix, nc_token_suffix, tok)
    return (out, tok_out[:, :SEQ_LEN])

# --- scband reference (transcript-rebuilt; emitter-appended) ---
"""Pipeline reference for scband-prompt-learner-33122787787537 (READ-ONLY COPY).

The authoritative reference and input builder live on the scoring server;
editing this copy changes nothing except your own understanding.
"""

import jax, jax.numpy as jnp
import numpy as np

N_CLS = 512
NUM_PROMPT = 16
N_CTX = 12
CTX_DIM = 512
TOP_K = 4
SEQ_LEN = 77
BATCH = 4096
SUFFIX_LEN = SEQ_LEN - 1 - N_CTX * TOP_K  # 28
VOCAB = 49408


def setup_inputs(seed: int = 0) -> dict:
    key = jax.random.key(seed)
    k1, k2, k3, k4, k5, k6, k7 = jax.random.split(key, 7)
    indices = jax.random.randint(k1, (BATCH, TOP_K), 0, NUM_PROMPT, dtype=jnp.int32)
    prob = jax.random.uniform(k2, (BATCH, TOP_K), dtype=jnp.float32)
    label = jax.random.randint(k3, (BATCH,), 0, N_CLS, dtype=jnp.int32)
    # learned class-specific context table: [n_cls, NUM_PROMPT, n_ctx, ctx_dim]
    text_prompt = jax.random.normal(k4, (N_CLS, NUM_PROMPT, N_CTX, CTX_DIM), dtype=jnp.float32) * 0.02
    # frozen CLIP token-embedding buffers
    nc_token_prefix = jax.random.normal(k5, (N_CLS, 1, CTX_DIM), dtype=jnp.float32) * 0.02
    nc_token_suffix = jax.random.normal(k6, (N_CLS, SUFFIX_LEN, CTX_DIM), dtype=jnp.float32) * 0.02
    nc_tokenized_prompts = jax.random.randint(k7, (N_CLS, SEQ_LEN), 0, VOCAB, dtype=jnp.int32)
    return {
        "indices": indices,
        "prob": prob,
        "label": label,
        "text_prompt": text_prompt,
        "nc_token_prefix": nc_token_prefix,
        "nc_token_suffix": nc_token_suffix,
        "nc_tokenized_prompts": nc_tokenized_prompts,
    }


def reference(indices, prob, label, text_prompt, nc_token_prefix, nc_token_suffix, nc_tokenized_prompts):
    batch = indices.shape[0]
    # self.text_prompt[label] -> [B, NUM_PROMPT, n_ctx, ctx_dim]
    sel = jnp.take(text_prompt, label, axis=0)
    # [arange(B)[:,None], indices] gather -> [B, top_k, n_ctx, ctx_dim]
    row = jnp.arange(batch)[:, None]
    ctx = sel[row, indices]
    # prob.unsqueeze(-1).unsqueeze(-1) * ctx, then view(batch, -1, ctx_dim)
    ctx = prob[:, :, None, None] * ctx
    ctx = ctx.reshape(batch, -1, CTX_DIM)
    prefix = jnp.take(nc_token_prefix, label, axis=0)   # [B, 1, d]
    suffix = jnp.take(nc_token_suffix, label, axis=0)   # [B, suffix_len, d]
    prompts = jnp.concatenate([prefix, ctx, suffix], axis=1)  # [B, 77, d]
    tokenized_prompts = jnp.take(nc_tokenized_prompts, label, axis=0)  # [B, 77]
    return (prompts, tokenized_prompts)

if __name__ == "__main__":
    import jax
    _d = setup_inputs()
    print(jax.jit(kernel)(*tuple(_d.values())))

</pallas_src>

<mosaic_0001>
#map = affine_map<(d0, d1) -> (0)>
#map1 = affine_map<(d0, d1) -> (0, 0, 0, 0)>
#map2 = affine_map<(d0, d1) -> (0, 0, 0)>
#map3 = affine_map<(d0, d1) -> (0, 0)>
module attributes {stable_mosaic.version = 14 : i64} {
  func.func @_body(%arg0: i32, %arg1: i32, %arg2: memref<16384xi32, #tpu.memory_space<hbm>>, %arg3: memref<16384xf32, #tpu.memory_space<hbm>>, %arg4: memref<4096xi32, #tpu.memory_space<hbm>>, %arg5: memref<512x16x12x512xf32, #tpu.memory_space<hbm>>, %arg6: memref<512x1x512xf32, #tpu.memory_space<hbm>>, %arg7: memref<512x28x512xf32, #tpu.memory_space<hbm>>, %arg8: memref<512x128xi32, #tpu.memory_space<hbm>>, %arg9: memref<4096x77x512xf32, #tpu.memory_space<hbm>>, %arg10: memref<4096x128xi32, #tpu.memory_space<hbm>>, %arg11: memref<128xi32, #tpu.memory_space<vmem>>, %arg12: memref<512xi32, #tpu.memory_space<vmem>>, %arg13: memref<512xf32, #tpu.memory_space<vmem>>, %arg14: memref<32x128xi32, #tpu.memory_space<vmem>>, %arg15: memref<12x512xf32, #tpu.memory_space<vmem>>, %arg16: memref<12x512xf32, #tpu.memory_space<vmem>>, %arg17: memref<12x512xf32, #tpu.memory_space<vmem>>, %arg18: memref<12x512xf32, #tpu.memory_space<vmem>>, %arg19: memref<28x512xf32, #tpu.memory_space<vmem>>, %arg20: memref<28x512xf32, #tpu.memory_space<vmem>>, %arg21: memref<1x512xf32, #tpu.memory_space<vmem>>, %arg22: memref<1x512xf32, #tpu.memory_space<vmem>>, %arg23: memref<48x512xf32, #tpu.memory_space<vmem>>, %arg24: memref<29x512xf32, #tpu.memory_space<vmem>>, %arg25: memref<!tpu.dma_semaphore, #tpu.memory_space<semaphore_mem>>, %arg26: memref<!tpu.dma_semaphore, #tpu.memory_space<semaphore_mem>>, %arg27: memref<!tpu.dma_semaphore, #tpu.memory_space<semaphore_mem>>, %arg28: memref<!tpu.dma_semaphore, #tpu.memory_space<semaphore_mem>>, %arg29: memref<!tpu.dma_semaphore, #tpu.memory_space<semaphore_mem>>) attributes {dimension_semantics = [#tpu.dimension_semantics<core_parallel>, #tpu.dimension_semantics<subcore_parallel>], iteration_bounds = array<i64: 2, 16>, scalar_prefetch = 0 : i64, scratch_operands = 19 : i64, tpu.core_type = #tpu.core_type<sc_vector_subcore>, window_params = [{transform_indices = #map}, {transform_indices = #map}, {transform_indices = #map}, {transform_indices = #map1}, {transform_indices = #map2}, {transform_indices = #map2}, {transform_indices = #map3}, {transform_indices = #map2}, {transform_indices = #map3}]} {
    %mul3A = arith.constant 2 : i32
    %mul3A_0 = arith.muli %arg1, %mul3A : i32
    %add3A = arith.addi %mul3A_0, %arg0 : i32
    %mul3A_1 = arith.constant 128 : i32
    %mul3A_2 = arith.muli %add3A, %mul3A_1 : i32
    "tpu.region"() ({
      %run_scoped3A = tpu.sem_alloc : memref<!tpu.dma_semaphore, #tpu.memory_space<semaphore_mem>>
      %dma_start3A_58 = tpu.memref_slice %arg4[%mul3A_2] : memref<4096xi32, #tpu.memory_space<hbm>> -> memref<128xi32, #tpu.memory_space<hbm>>
      %dma_start3A_59 = tpu.memref_slice %arg4[%mul3A_2] : memref<4096xi32, #tpu.memory_space<hbm>> -> memref<128xi32, #tpu.memory_space<hbm>>
      tpu.enqueue_dma source(%dma_start3A_59 : memref<128xi32, #tpu.memory_space<hbm>>) target(%arg11 : memref<128xi32, #tpu.memory_space<vmem>>) target_semaphore(%run_scoped3A : memref<!tpu.dma_semaphore, #tpu.memory_space<semaphore_mem>>)
      %dma_wait3A_60 = tpu.memref_slice %arg4[%mul3A_2] : memref<4096xi32, #tpu.memory_space<hbm>> -> memref<128xi32, #tpu.memory_space<hbm>>
      %dma_wait3A_61 = tpu.memref_slice %arg4[%mul3A_2] : memref<4096xi32, #tpu.memory_space<hbm>> -> memref<128xi32, #tpu.memory_space<hbm>>
      tpu.wait_dma2 semaphore(%run_scoped3A : memref<!tpu.dma_semaphore, #tpu.memory_space<semaphore_mem>>) src(%dma_wait3A_61 : memref<128xi32, #tpu.memory_space<hbm>>) dst(%arg11 : memref<128xi32, #tpu.memory_space<vmem>>)
      tpu.yield
    }) : () -> ()
    %mul3A_3 = arith.constant 4 : i32
    %mul3A_4 = arith.muli %mul3A_2, %mul3A_3 : i32
    "tpu.region"() ({
      %run_scoped3A = tpu.sem_alloc : memref<!tpu.dma_semaphore, #tpu.memory_space<semaphore_mem>>
      %dma_start3A_58 = tpu.memref_slice %arg2[%mul3A_4] : memref<16384xi32, #tpu.memory_space<hbm>> -> memref<512xi32, #tpu.memory_space<hbm>>
      %dma_start3A_59 = tpu.memref_slice %arg2[%mul3A_4] : memref<16384xi32, #tpu.memory_space<hbm>> -> memref<512xi32, #tpu.memory_space<hbm>>
      tpu.enqueue_dma source(%dma_start3A_59 : memref<512xi32, #tpu.memory_space<hbm>>) target(%arg12 : memref<512xi32, #tpu.memory_space<vmem>>) target_semaphore(%run_scoped3A : memref<!tpu.dma_semaphore, #tpu.memory_space<semaphore_mem>>)
      %dma_wait3A_60 = tpu.memref_slice %arg2[%mul3A_4] : memref<16384xi32, #tpu.memory_space<hbm>> -> memref<512xi32, #tpu.memory_space<hbm>>
      %dma_wait3A_61 = tpu.memref_slice %arg2[%mul3A_4] : memref<16384xi32, #tpu.memory_space<hbm>> -> memref<512xi32, #tpu.memory_space<hbm>>
      tpu.wait_dma2 semaphore(%run_scoped3A : memref<!tpu.dma_semaphore, #tpu.memory_space<semaphore_mem>>) src(%dma_wait3A_61 : memref<512xi32, #tpu.memory_space<hbm>>) dst(%arg12 : memref<512xi32, #tpu.memory_space<vmem>>)
      tpu.yield
    }) : () -> ()
    %mul3A_5 = arith.constant 4 : i32
    %mul3A_6 = arith.muli %mul3A_2, %mul3A_5 : i32
    "tpu.region"() ({
      %run_scoped3A = tpu.sem_alloc : memref<!tpu.dma_semaphore, #tpu.memory_space<semaphore_mem>>
      %dma_start3A_58 = tpu.memref_slice %arg3[%mul3A_6] : memref<16384xf32, #tpu.memory_space<hbm>> -> memref<512xf32, #tpu.memory_space<hbm>>
      %dma_start3A_59 = tpu.memref_slice %arg3[%mul3A_6] : memref<16384xf32, #tpu.memory_space<hbm>> -> memref<512xf32, #tpu.memory_space<hbm>>
      tpu.enqueue_dma source(%dma_start3A_59 : memref<512xf32, #tpu.memory_space<hbm>>) target(%arg13 : memref<512xf32, #tpu.memory_space<vmem>>) target_semaphore(%run_scoped3A : memref<!tpu.dma_semaphore, #tpu.memory_space<semaphore_mem>>)
      %dma_wait3A_60 = tpu.memref_slice %arg3[%mul3A_6] : memref<16384xf32, #tpu.memory_space<hbm>> -> memref<512xf32, #tpu.memory_space<hbm>>
      %dma_wait3A_61 = tpu.memref_slice %arg3[%mul3A_6] : memref<16384xf32, #tpu.memory_space<hbm>> -> memref<512xf32, #tpu.memory_space<hbm>>
      tpu.wait_dma2 semaphore(%run_scoped3A : memref<!tpu.dma_semaphore, #tpu.memory_space<semaphore_mem>>) src(%dma_wait3A_61 : memref<512xf32, #tpu.memory_space<hbm>>) dst(%arg13 : memref<512xf32, #tpu.memory_space<vmem>>)
      tpu.yield
    }) : () -> ()
    %dma_start3A = arith.constant 0 : i32
    %dma_start3A_7 = tpu.memref_slice %arg11[%dma_start3A] : memref<128xi32, #tpu.memory_space<vmem>> -> memref<32xi32, #tpu.memory_space<vmem>>
    %dma_start3A_8 = arith.constant 0 : i32
    %dma_start3A_9 = arith.constant 0 : i32
    %dma_start3A_10 = tpu.memref_slice %arg8[%dma_start3A_8, %dma_start3A_9] : memref<512x128xi32, #tpu.memory_space<hbm>> -> memref<512x128xi32, #tpu.memory_space<hbm>>
    tpu.enqueue_indirect_dma source(%dma_start3A_10 : memref<512x128xi32, #tpu.memory_space<hbm>>) target(%arg14 : memref<32x128xi32, #tpu.memory_space<vmem>>) offsets(%dma_start3A_7 : memref<32xi32, #tpu.memory_space<vmem>>) semaphore(%arg29 : memref<!tpu.dma_semaphore, #tpu.memory_space<semaphore_mem>>)
    %dma_wait3A = arith.constant 0 : i32
    %dma_wait3A_11 = tpu.memref_slice %arg11[%dma_wait3A] : memref<128xi32, #tpu.memory_space<vmem>> -> memref<32xi32, #tpu.memory_space<vmem>>
    %dma_wait3A_12 = arith.constant 0 : i32
    %dma_wait3A_13 = arith.constant 0 : i32
    %dma_wait3A_14 = tpu.memref_slice %arg8[%dma_wait3A_12, %dma_wait3A_13] : memref<512x128xi32, #tpu.memory_space<hbm>> -> memref<512x128xi32, #tpu.memory_space<hbm>>
    tpu.wait_indirect_dma semaphore(%arg29 : memref<!tpu.dma_semaphore, #tpu.memory_space<semaphore_mem>>) src(%dma_wait3A_14 : memref<512x128xi32, #tpu.memory_space<hbm>>) dst(%arg14 : memref<32x128xi32, #tpu.memory_space<vmem>>)
    %add3A_15 = arith.constant 0 : i32
    %add3A_16 = arith.addi %mul3A_2, %add3A_15 : i32
    "tpu.region"() ({
      %run_scoped3A = tpu.sem_alloc : memref<!tpu.dma_semaphore, #tpu.memory_space<semaphore_mem>>
      %dma_start3A_58 = arith.constant 0 : i32
      %dma_start3A_59 = tpu.memref_slice %arg10[%add3A_16, %dma_start3A_58] : memref<4096x128xi32, #tpu.memory_space<hbm>> -> memref<32x128xi32, #tpu.memory_space<hbm>>
      %dma_start3A_60 = arith.constant 0 : i32
      %dma_start3A_61 = tpu.memref_slice %arg10[%add3A_16, %dma_start3A_60] : memref<4096x128xi32, #tpu.memory_space<hbm>> -> memref<32x128xi32, #tpu.memory_space<hbm>>
      tpu.enqueue_dma source(%arg14 : memref<32x128xi32, #tpu.memory_space<vmem>>) target(%dma_start3A_61 : memref<32x128xi32, #tpu.memory_space<hbm>>) target_semaphore(%run_scoped3A : memref<!tpu.dma_semaphore, #tpu.memory_space<semaphore_mem>>)
      %dma_wait3A_62 = arith.constant 0 : i32
      %dma_wait3A_63 = tpu.memref_slice %arg10[%add3A_16, %dma_wait3A_62] : memref<4096x128xi32, #tpu.memory_space<hbm>> -> memref<32x128xi32, #tpu.memory_space<hbm>>
      %dma_wait3A_64 = arith.constant 0 : i32
      %dma_wait3A_65 = tpu.memref_slice %arg10[%add3A_16, %dma_wait3A_64] : memref<4096x128xi32, #tpu.memory_space<hbm>> -> memref<32x128xi32, #tpu.memory_space<hbm>>
      tpu.wait_dma2 semaphore(%run_scoped3A : memref<!tpu.dma_semaphore, #tpu.memory_space<semaphore_mem>>) src(%arg14 : memref<32x128xi32, #tpu.memory_space<vmem>>) dst(%dma_wait3A_65 : memref<32x128xi32, #tpu.memory_space<hbm>>)
      tpu.yield
    }) : () -> ()
    %dma_start3A_17 = arith.constant 32 : i32
    %dma_start3A_18 = tpu.memref_slice %arg11[%dma_start3A_17] : memref<128xi32, #tpu.memory_space<vmem>> -> memref<32xi32, #tpu.memory_space<vmem>>
    %dma_start3A_19 = arith.constant 0 : i32
    %dma_start3A_20 = arith.constant 0 : i32
    %dma_start3A_21 = tpu.memref_slice %arg8[%dma_start3A_19, %dma_start3A_20] : memref<512x128xi32, #tpu.memory_space<hbm>> -> memref<512x128xi32, #tpu.memory_space<hbm>>
    tpu.enqueue_indirect_dma source(%dma_start3A_21 : memref<512x128xi32, #tpu.memory_space<hbm>>) target(%arg14 : memref<32x128xi32, #tpu.memory_space<vmem>>) offsets(%dma_start3A_18 : memref<32xi32, #tpu.memory_space<vmem>>) semaphore(%arg29 : memref<!tpu.dma_semaphore, #tpu.memory_space<semaphore_mem>>)
    %dma_wait3A_22 = arith.constant 32 : i32
    %dma_wait3A_23 = tpu.memref_slice %arg11[%dma_wait3A_22] : memref<128xi32, #tpu.memory_space<vmem>> -> memref<32xi32, #tpu.memory_space<vmem>>
    %dma_wait3A_24 = arith.constant 0 : i32
    %dma_wait3A_25 = arith.constant 0 : i32
    %dma_wait3A_26 = tpu.memref_slice %arg8[%dma_wait3A_24, %dma_wait3A_25] : memref<512x128xi32, #tpu.memory_space<hbm>> -> memref<512x128xi32, #tpu.memory_space<hbm>>
    tpu.wait_indirect_dma semaphore(%arg29 : memref<!tpu.dma_semaphore, #tpu.memory_space<semaphore_mem>>) src(%dma_wait3A_26 : memref<512x128xi32, #tpu.memory_space<hbm>>) dst(%arg14 : memref<32x128xi32, #tpu.memory_space<vmem>>)
    %add3A_27 = arith.constant 32 : i32
    %add3A_28 = arith.addi %mul3A_2, %add3A_27 : i32
    "tpu.region"() ({
      %run_scoped3A = tpu.sem_alloc : memref<!tpu.dma_semaphore, #tpu.memory_space<semaphore_mem>>
      %dma_start3A_58 = arith.constant 0 : i32
      %dma_start3A_59 = tpu.memref_slice %arg10[%add3A_28, %dma_start3A_58] : memref<4096x128xi32, #tpu.memory_space<hbm>> -> memref<32x128xi32, #tpu.memory_space<hbm>>
      %dma_start3A_60 = arith.constant 0 : i32
      %dma_start3A_61 = tpu.memref_slice %arg10[%add3A_28, %dma_start3A_60] : memref<4096x128xi32, #tpu.memory_space<hbm>> -> memref<32x128xi32, #tpu.memory_space<hbm>>
      tpu.enqueue_dma source(%arg14 : memref<32x128xi32, #tpu.memory_space<vmem>>) target(%dma_start3A_61 : memref<32x128xi32, #tpu.memory_space<hbm>>) target_semaphore(%run_scoped3A : memref<!tpu.dma_semaphore, #tpu.memory_space<semaphore_mem>>)
      %dma_wait3A_62 = arith.constant 0 : i32
      %dma_wait3A_63 = tpu.memref_slice %arg10[%add3A_28, %dma_wait3A_62] : memref<4096x128xi32, #tpu.memory_space<hbm>> -> memref<32x128xi32, #tpu.memory_space<hbm>>
      %dma_wait3A_64 = arith.constant 0 : i32
      %dma_wait3A_65 = tpu.memref_slice %arg10[%add3A_28, %dma_wait3A_64] : memref<4096x128xi32, #tpu.memory_space<hbm>> -> memref<32x128xi32, #tpu.memory_space<hbm>>
      tpu.wait_dma2 semaphore(%run_scoped3A : memref<!tpu.dma_semaphore, #tpu.memory_space<semaphore_mem>>) src(%arg14 : memref<32x128xi32, #tpu.memory_space<vmem>>) dst(%dma_wait3A_65 : memref<32x128xi32, #tpu.memory_space<hbm>>)
      tpu.yield
    }) : () -> ()
    %dma_start3A_29 = arith.constant 64 : i32
    %dma_start3A_30 = tpu.memref_slice %arg11[%dma_start3A_29] : memref<128xi32, #tpu.memory_space<vmem>> -> memref<32xi32, #tpu.memory_space<vmem>>
    %dma_start3A_31 = arith.constant 0 : i32
    %dma_start3A_32 = arith.constant 0 : i32
    %dma_start3A_33 = tpu.memref_slice %arg8[%dma_start3A_31, %dma_start3A_32] : memref<512x128xi32, #tpu.memory_space<hbm>> -> memref<512x128xi32, #tpu.memory_space<hbm>>
    tpu.enqueue_indirect_dma source(%dma_start3A_33 : memref<512x128xi32, #tpu.memory_space<hbm>>) target(%arg14 : memref<32x128xi32, #tpu.memory_space<vmem>>) offsets(%dma_start3A_30 : memref<32xi32, #tpu.memory_space<vmem>>) semaphore(%arg29 : memref<!tpu.dma_semaphore, #tpu.memory_space<semaphore_mem>>)
    %dma_wait3A_34 = arith.constant 64 : i32
    %dma_wait3A_35 = tpu.memref_slice %arg11[%dma_wait3A_34] : memref<128xi32, #tpu.memory_space<vmem>> -> memref<32xi32, #tpu.memory_space<vmem>>
    %dma_wait3A_36 = arith.constant 0 : i32
    %dma_wait3A_37 = arith.constant 0 : i32
    %dma_wait3A_38 = tpu.memref_slice %arg8[%dma_wait3A_36, %dma_wait3A_37] : memref<512x128xi32, #tpu.memory_space<hbm>> -> memref<512x128xi32, #tpu.memory_space<hbm>>
    tpu.wait_indirect_dma semaphore(%arg29 : memref<!tpu.dma_semaphore, #tpu.memory_space<semaphore_mem>>) src(%dma_wait3A_38 : memref<512x128xi32, #tpu.memory_space<hbm>>) dst(%arg14 : memref<32x128xi32, #tpu.memory_space<vmem>>)
    %add3A_39 = arith.constant 64 : i32
    %add3A_40 = arith.addi %mul3A_2, %add3A_39 : i32
    "tpu.region"() ({
      %run_scoped3A = tpu.sem_alloc : memref<!tpu.dma_semaphore, #tpu.memory_space<semaphore_mem>>
      %dma_start3A_58 = arith.constant 0 : i32
      %dma_start3A_59 = tpu.memref_slice %arg10[%add3A_40, %dma_start3A_58] : memref<4096x128xi32, #tpu.memory_space<hbm>> -> memref<32x128xi32, #tpu.memory_space<hbm>>
      %dma_start3A_60 = arith.constant 0 : i32
      %dma_start3A_61 = tpu.memref_slice %arg10[%add3A_40, %dma_start3A_60] : memref<4096x128xi32, #tpu.memory_space<hbm>> -> memref<32x128xi32, #tpu.memory_space<hbm>>
      tpu.enqueue_dma source(%arg14 : memref<32x128xi32, #tpu.memory_space<vmem>>) target(%dma_start3A_61 : memref<32x128xi32, #tpu.memory_space<hbm>>) target_semaphore(%run_scoped3A : memref<!tpu.dma_semaphore, #tpu.memory_space<semaphore_mem>>)
      %dma_wait3A_62 = arith.constant 0 : i32
      %dma_wait3A_63 = tpu.memref_slice %arg10[%add3A_40, %dma_wait3A_62] : memref<4096x128xi32, #tpu.memory_space<hbm>> -> memref<32x128xi32, #tpu.memory_space<hbm>>
      %dma_wait3A_64 = arith.constant 0 : i32
      %dma_wait3A_65 = tpu.memref_slice %arg10[%add3A_40, %dma_wait3A_64] : memref<4096x128xi32, #tpu.memory_space<hbm>> -> memref<32x128xi32, #tpu.memory_space<hbm>>
      tpu.wait_dma2 semaphore(%run_scoped3A : memref<!tpu.dma_semaphore, #tpu.memory_space<semaphore_mem>>) src(%arg14 : memref<32x128xi32, #tpu.memory_space<vmem>>) dst(%dma_wait3A_65 : memref<32x128xi32, #tpu.memory_space<hbm>>)
      tpu.yield
    }) : () -> ()
    %dma_start3A_41 = arith.constant 96 : i32
    %dma_start3A_42 = tpu.memref_slice %arg11[%dma_start3A_41] : memref<128xi32, #tpu.memory_space<vmem>> -> memref<32xi32, #tpu.memory_space<vmem>>
    %dma_start3A_43 = arith.constant 0 : i32
    %dma_start3A_44 = arith.constant 0 : i32
    %dma_start3A_45 = tpu.memref_slice %arg8[%dma_start3A_43, %dma_start3A_44] : memref<512x128xi32, #tpu.memory_space<hbm>> -> memref<512x128xi32, #tpu.memory_space<hbm>>
    tpu.enqueue_indirect_dma source(%dma_start3A_45 : memref<512x128xi32, #tpu.memory_space<hbm>>) target(%arg14 : memref<32x128xi32, #tpu.memory_space<vmem>>) offsets(%dma_start3A_42 : memref<32xi32, #tpu.memory_space<vmem>>) semaphore(%arg29 : memref<!tpu.dma_semaphore, #tpu.memory_space<semaphore_mem>>)
    %dma_wait3A_46 = arith.constant 96 : i32
    %dma_wait3A_47 = tpu.memref_slice %arg11[%dma_wait3A_46] : memref<128xi32, #tpu.memory_space<vmem>> -> memref<32xi32, #tpu.memory_space<vmem>>
    %dma_wait3A_48 = arith.constant 0 : i32
    %dma_wait3A_49 = arith.constant 0 : i32
    %dma_wait3A_50 = tpu.memref_slice %arg8[%dma_wait3A_48, %dma_wait3A_49] : memref<512x128xi32, #tpu.memory_space<hbm>> -> memref<512x128xi32, #tpu.memory_space<hbm>>
    tpu.wait_indirect_dma semaphore(%arg29 : memref<!tpu.dma_semaphore, #tpu.memory_space<semaphore_mem>>) src(%dma_wait3A_50 : memref<512x128xi32, #tpu.memory_space<hbm>>) dst(%arg14 : memref<32x128xi32, #tpu.memory_space<vmem>>)
    %add3A_51 = arith.constant 96 : i32
    %add3A_52 = arith.addi %mul3A_2, %add3A_51 : i32
    "tpu.region"() ({
      %run_scoped3A = tpu.sem_alloc : memref<!tpu.dma_semaphore, #tpu.memory_space<semaphore_mem>>
      %dma_start3A_58 = arith.constant 0 : i32
      %dma_start3A_59 = tpu.memref_slice %arg10[%add3A_52, %dma_start3A_58] : memref<4096x128xi32, #tpu.memory_space<hbm>> -> memref<32x128xi32, #tpu.memory_space<hbm>>
      %dma_start3A_60 = arith.constant 0 : i32
      %dma_start3A_61 = tpu.memref_slice %arg10[%add3A_52, %dma_start3A_60] : memref<4096x128xi32, #tpu.memory_space<hbm>> -> memref<32x128xi32, #tpu.memory_space<hbm>>
      tpu.enqueue_dma source(%arg14 : memref<32x128xi32, #tpu.memory_space<vmem>>) target(%dma_start3A_61 : memref<32x128xi32, #tpu.memory_space<hbm>>) target_semaphore(%run_scoped3A : memref<!tpu.dma_semaphore, #tpu.memory_space<semaphore_mem>>)
      %dma_wait3A_62 = arith.constant 0 : i32
      %dma_wait3A_63 = tpu.memref_slice %arg10[%add3A_52, %dma_wait3A_62] : memref<4096x128xi32, #tpu.memory_space<hbm>> -> memref<32x128xi32, #tpu.memory_space<hbm>>
      %dma_wait3A_64 = arith.constant 0 : i32
      %dma_wait3A_65 = tpu.memref_slice %arg10[%add3A_52, %dma_wait3A_64] : memref<4096x128xi32, #tpu.memory_space<hbm>> -> memref<32x128xi32, #tpu.memory_space<hbm>>
      tpu.wait_dma2 semaphore(%run_scoped3A : memref<!tpu.dma_semaphore, #tpu.memory_space<semaphore_mem>>) src(%arg14 : memref<32x128xi32, #tpu.memory_space<vmem>>) dst(%dma_wait3A_65 : memref<32x128xi32, #tpu.memory_space<hbm>>)
      tpu.yield
    }) : () -> ()
    %scan3A = arith.constant 0 : i32
    %scan3A_53 = arith.constant 0 : i32
    %scan3A_54 = arith.constant 128 : i32
    %scan3A_55 = arith.addi %scan3A_53, %scan3A_54 : i32
    %scan3A_56 = arith.constant 1 : i32
    scf.for %scan3A_58 = %scan3A_53 to %scan3A_55 step %scan3A_56  : i32 {
      %broadcast_in_dim3A = vector.broadcast %scan3A_58 : i32 to vector<16xi32>
      %gather3A = tpu.vector_load_idx %arg11[%broadcast_in_dim3A] : memref<128xi32, #tpu.memory_space<vmem>>[vector<16xi32>], vector<16xi32>,
      %reduce_max3A = arith.constant true
      %reduce_max3A_59 = vector.broadcast %reduce_max3A : i1 to vector<16xi1>
      %reduce_max3A_60 = arith.constant -2147483648 : i32
      %reduce_max3A_61 = vector.broadcast %reduce_max3A_60 : i32 to vector<16xi32>
      %reduce_max3A_62 = arith.xori %gather3A, %reduce_max3A_61 : vector<16xi32>
      %reduce_max3A_63 = tpu.scan <max>, %reduce_max3A_62 masked %reduce_max3A_59 : vector<16xi32>, vector<16xi1> -> vector<16xi32>
      %reduce_max3A_64 = arith.xori %reduce_max3A_63, %reduce_max3A_61 : vector<16xi32>
      %reduce_max3A_65 = vector.extract %reduce_max3A_64[15] : i32 from vector<16xi32>
      %mul3A_66 = arith.constant 4 : i32
      %mul3A_67 = arith.muli %scan3A_58, %mul3A_66 : i32
      %add3A_68 = arith.constant 0 : i32
      %add3A_69 = arith.addi %mul3A_67, %add3A_68 : i32
      %broadcast_in_dim3A_70 = vector.broadcast %add3A_69 : i32 to vector<16xi32>
      %gather3A_71 = tpu.vector_load_idx %arg12[%broadcast_in_dim3A_70] : memref<512xi32, #tpu.memory_space<vmem>>[vector<16xi32>], vector<16xi32>,
      %reduce_max3A_72 = arith.constant true
      %reduce_max3A_73 = vector.broadcast %reduce_max3A_72 : i1 to vector<16xi1>
      %reduce_max3A_74 = arith.constant -2147483648 : i32
      %reduce_max3A_75 = vector.broadcast %reduce_max3A_74 : i32 to vector<16xi32>
      %reduce_max3A_76 = arith.xori %gather3A_71, %reduce_max3A_75 : vector<16xi32>
      %reduce_max3A_77 = tpu.scan <max>, %reduce_max3A_76 masked %reduce_max3A_73 : vector<16xi32>, vector<16xi1> -> vector<16xi32>
      %reduce_max3A_78 = arith.xori %reduce_max3A_77, %reduce_max3A_75 : vector<16xi32>
      %reduce_max3A_79 = vector.extract %reduce_max3A_78[15] : i32 from vector<16xi32>
      %mul3A_80 = arith.constant 4 : i32
      %mul3A_81 = arith.muli %scan3A_58, %mul3A_80 : i32
      %add3A_82 = arith.constant 1 : i32
      %add3A_83 = arith.addi %mul3A_81, %add3A_82 : i32
      %broadcast_in_dim3A_84 = vector.broadcast %add3A_83 : i32 to vector<16xi32>
      %gather3A_85 = tpu.vector_load_idx %arg12[%broadcast_in_dim3A_84] : memref<512xi32, #tpu.memory_space<vmem>>[vector<16xi32>], vector<16xi32>,
      %reduce_max3A_86 = arith.constant true
      %reduce_max3A_87 = vector.broadcast %reduce_max3A_86 : i1 to vector<16xi1>
      %reduce_max3A_88 = arith.constant -2147483648 : i32
      %reduce_max3A_89 = vector.broadcast %reduce_max3A_88 : i32 to vector<16xi32>
      %reduce_max3A_90 = arith.xori %gather3A_85, %reduce_max3A_89 : vector<16xi32>
      %reduce_max3A_91 = tpu.scan <max>, %reduce_max3A_90 masked %reduce_max3A_87 : vector<16xi32>, vector<16xi1> -> vector<16xi32>
      %reduce_max3A_92 = arith.xori %reduce_max3A_91, %reduce_max3A_89 : vector<16xi32>
      %reduce_max3A_93 = vector.extract %reduce_max3A_92[15] : i32 from vector<16xi32>
      %mul3A_94 = arith.constant 4 : i32
      %mul3A_95 = arith.muli %scan3A_58, %mul3A_94 : i32
      %add3A_96 = arith.constant 2 : i32
      %add3A_97 = arith.addi %mul3A_95, %add3A_96 : i32
      %broadcast_in_dim3A_98 = vector.broadcast %add3A_97 : i32 to vector<16xi32>
      %gather3A_99 = tpu.vector_load_idx %arg12[%broadcast_in_dim3A_98] : memref<512xi32, #tpu.memory_space<vmem>>[vector<16xi32>], vector<16xi32>,
      %reduce_max3A_100 = arith.constant true
      %reduce_max3A_101 = vector.broadcast %reduce_max3A_100 : i1 to vector<16xi1>
      %reduce_max3A_102 = arith.constant -2147483648 : i32
      %reduce_max3A_103 = vector.broadcast %reduce_max3A_102 : i32 to vector<16xi32>
      %reduce_max3A_104 = arith.xori %gather3A_99, %reduce_max3A_103 : vector<16xi32>
      %reduce_max3A_105 = tpu.scan <max>, %reduce_max3A_104 masked %reduce_max3A_101 : vector<16xi32>, vector<16xi1> -> vector<16xi32>
      %reduce_max3A_106 = arith.xori %reduce_max3A_105, %reduce_max3A_103 : vector<16xi32>
      %reduce_max3A_107 = vector.extract %reduce_max3A_106[15] : i32 from vector<16xi32>
      %mul3A_108 = arith.constant 4 : i32
      %mul3A_109 = arith.muli %scan3A_58, %mul3A_108 : i32
      %add3A_110 = arith.constant 3 : i32
      %add3A_111 = arith.addi %mul3A_109, %add3A_110 : i32
      %broadcast_in_dim3A_112 = vector.broadcast %add3A_111 : i32 to vector<16xi32>
      %gather3A_113 = tpu.vector_load_idx %arg12[%broadcast_in_dim3A_112] : memref<512xi32, #tpu.memory_space<vmem>>[vector<16xi32>], vector<16xi32>,
      %reduce_max3A_114 = arith.constant true
      %reduce_max3A_115 = vector.broadcast %reduce_max3A_114 : i1 to vector<16xi1>
      %reduce_max3A_116 = arith.constant -2147483648 : i32
      %reduce_max3A_117 = vector.broadcast %reduce_max3A_116 : i32 to vector<16xi32>
      %reduce_max3A_118 = arith.xori %gather3A_113, %reduce_max3A_117 : vector<16xi32>
      %reduce_max3A_119 = tpu.scan <max>, %reduce_max3A_118 masked %reduce_max3A_115 : vector<16xi32>, vector<16xi1> -> vector<16xi32>
      %reduce_max3A_120 = arith.xori %reduce_max3A_119, %reduce_max3A_117 : vector<16xi32>
      %reduce_max3A_121 = vector.extract %reduce_max3A_120[15] : i32 from vector<16xi32>
      %dma_start3A_122 = arith.constant 0 : i32
      %dma_start3A_123 = arith.constant 0 : i32
      %dma_start3A_124 = tpu.memref_slice %arg5[%reduce_max3A_65, %reduce_max3A_79, %dma_start3A_122, %dma_start3A_123] : memref<512x16x12x512xf32, #tpu.memory_space<hbm>> -> memref<1x1x12x512xf32, #tpu.memory_space<hbm>>
      %dma_start3A_125 = tpu.memref_squeeze %dma_start3A_124 : memref<1x1x12x512xf32, #tpu.memory_space<hbm>> -> memref<12x512xf32, #tpu.memory_space<hbm>>
      %dma_start3A_126 = arith.constant 0 : i32
      %dma_start3A_127 = arith.constant 0 : i32
      %dma_start3A_128 = tpu.memref_slice %arg5[%reduce_max3A_65, %reduce_max3A_79, %dma_start3A_126, %dma_start3A_127] : memref<512x16x12x512xf32, #tpu.memory_space<hbm>> -> memref<1x1x12x512xf32, #tpu.memory_space<hbm>>
      %dma_start3A_129 = tpu.memref_squeeze %dma_start3A_128 : memref<1x1x12x512xf32, #tpu.memory_space<hbm>> -> memref<12x512xf32, #tpu.memory_space<hbm>>
      tpu.enqueue_dma source(%dma_start3A_129 : memref<12x512xf32, #tpu.memory_space<hbm>>) target(%arg15 : memref<12x512xf32, #tpu.memory_space<vmem>>) target_semaphore(%arg25 : memref<!tpu.dma_semaphore, #tpu.memory_space<semaphore_mem>>)
      %dma_start3A_130 = arith.constant 0 : i32
      %dma_start3A_131 = arith.constant 0 : i32
      %dma_start3A_132 = tpu.memref_slice %arg5[%reduce_max3A_65, %reduce_max3A_93, %dma_start3A_130, %dma_start3A_131] : memref<512x16x12x512xf32, #tpu.memory_space<hbm>> -> memref<1x1x12x512xf32, #tpu.memory_space<hbm>>
      %dma_start3A_133 = tpu.memref_squeeze %dma_start3A_132 : memref<1x1x12x512xf32, #tpu.memory_space<hbm>> -> memref<12x512xf32, #tpu.memory_space<hbm>>
      %dma_start3A_134 = arith.constant 0 : i32
      %dma_start3A_135 = arith.constant 0 : i32
      %dma_start3A_136 = tpu.memref_slice %arg5[%reduce_max3A_65, %reduce_max3A_93, %dma_start3A_134, %dma_start3A_135] : memref<512x16x12x512xf32, #tpu.memory_space<hbm>> -> memref<1x1x12x512xf32, #tpu.memory_space<hbm>>
      %dma_start3A_137 = tpu.memref_squeeze %dma_start3A_136 : memref<1x1x12x512xf32, #tpu.memory_space<hbm>> -> memref<12x512xf32, #tpu.memory_space<hbm>>
      tpu.enqueue_dma source(%dma_start3A_137 : memref<12x512xf32, #tpu.memory_space<hbm>>) target(%arg16 : memref<12x512xf32, #tpu.memory_space<vmem>>) target_semaphore(%arg25 : memref<!tpu.dma_semaphore, #tpu.memory_space<semaphore_mem>>)
      %dma_start3A_138 = arith.constant 0 : i32
      %dma_start3A_139 = arith.constant 0 : i32
      %dma_start3A_140 = tpu.memref_slice %arg5[%reduce_max3A_65, %reduce_max3A_107, %dma_start3A_138, %dma_start3A_139] : memref<512x16x12x512xf32, #tpu.memory_space<hbm>> -> memref<1x1x12x512xf32, #tpu.memory_space<hbm>>
      %dma_start3A_141 = tpu.memref_squeeze %dma_start3A_140 : memref<1x1x12x512xf32, #tpu.memory_space<hbm>> -> memref<12x512xf32, #tpu.memory_space<hbm>>
      %dma_start3A_142 = arith.constant 0 : i32
      %dma_start3A_143 = arith.constant 0 : i32
      %dma_start3A_144 = tpu.memref_slice %arg5[%reduce_max3A_65, %reduce_max3A_107, %dma_start3A_142, %dma_start3A_143] : memref<512x16x12x512xf32, #tpu.memory_space<hbm>> -> memref<1x1x12x512xf32, #tpu.memory_space<hbm>>
      %dma_start3A_145 = tpu.memref_squeeze %dma_start3A_144 : memref<1x1x12x512xf32, #tpu.memory_space<hbm>> -> memref<12x512xf32, #tpu.memory_space<hbm>>
      tpu.enqueue_dma source(%dma_start3A_145 : memref<12x512xf32, #tpu.memory_space<hbm>>) target(%arg17 : memref<12x512xf32, #tpu.memory_space<vmem>>) target_semaphore(%arg25 : memref<!tpu.dma_semaphore, #tpu.memory_space<semaphore_mem>>)
      %dma_start3A_146 = arith.constant 0 : i32
      %dma_start3A_147 = arith.constant 0 : i32
      %dma_start3A_148 = tpu.memref_slice %arg5[%reduce_max3A_65, %reduce_max3A_121, %dma_start3A_146, %dma_start3A_147] : memref<512x16x12x512xf32, #tpu.memory_space<hbm>> -> memref<1x1x12x512xf32, #tpu.memory_space<hbm>>
      %dma_start3A_149 = tpu.memref_squeeze %dma_start3A_148 : memref<1x1x12x512xf32, #tpu.memory_space<hbm>> -> memref<12x512xf32, #tpu.memory_space<hbm>>
      %dma_start3A_150 = arith.constant 0 : i32
      %dma_start3A_151 = arith.constant 0 : i32
      %dma_start3A_152 = tpu.memref_slice %arg5[%reduce_max3A_65, %reduce_max3A_121, %dma_start3A_150, %dma_start3A_151] : memref<512x16x12x512xf32, #tpu.memory_space<hbm>> -> memref<1x1x12x512xf32, #tpu.memory_space<hbm>>
      %dma_start3A_153 = tpu.memref_squeeze %dma_start3A_152 : memref<1x1x12x512xf32, #tpu.memory_space<hbm>> -> memref<12x512xf32, #tpu.memory_space<hbm>>
      tpu.enqueue_dma source(%dma_start3A_153 : memref<12x512xf32, #tpu.memory_space<hbm>>) target(%arg18 : memref<12x512xf32, #tpu.memory_space<vmem>>) target_semaphore(%arg25 : memref<!tpu.dma_semaphore, #tpu.memory_space<semaphore_mem>>)
      %broadcast_in_dim3A_154 = vector.broadcast %scan3A_58 : i32 to vector<16xi32>
      %gather3A_155 = tpu.vector_load_idx %arg11[%broadcast_in_dim3A_154] : memref<128xi32, #tpu.memory_space<vmem>>[vector<16xi32>], vector<16xi32>,
      %reduce_max3A_156 = arith.constant true
      %reduce_max3A_157 = vector.broadcast %reduce_max3A_156 : i1 to vector<16xi1>
      %reduce_max3A_158 = arith.constant -2147483648 : i32
      %reduce_max3A_159 = vector.broadcast %reduce_max3A_158 : i32 to vector<16xi32>
      %reduce_max3A_160 = arith.xori %gather3A_155, %reduce_max3A_159 : vector<16xi32>
      %reduce_max3A_161 = tpu.scan <max>, %reduce_max3A_160 masked %reduce_max3A_157 : vector<16xi32>, vector<16xi1> -> vector<16xi32>
      %reduce_max3A_162 = arith.xori %reduce_max3A_161, %reduce_max3A_159 : vector<16xi32>
      %reduce_max3A_163 = vector.extract %reduce_max3A_162[15] : i32 from vector<16xi32>
      %mul3A_164 = arith.constant 4 : i32
      %mul3A_165 = arith.muli %scan3A_58, %mul3A_164 : i32
      %add3A_166 = arith.constant 0 : i32
      %add3A_167 = arith.addi %mul3A_165, %add3A_166 : i32
      %broadcast_in_dim3A_168 = vector.broadcast %add3A_167 : i32 to vector<16xi32>
      %gather3A_169 = tpu.vector_load_idx %arg12[%broadcast_in_dim3A_168] : memref<512xi32, #tpu.memory_space<vmem>>[vector<16xi32>], vector<16xi32>,
      %reduce_max3A_170 = arith.constant true
      %reduce_max3A_171 = vector.broadcast %reduce_max3A_170 : i1 to vector<16xi1>
      %reduce_max3A_172 = arith.constant -2147483648 : i32
      %reduce_max3A_173 = vector.broadcast %reduce_max3A_172 : i32 to vector<16xi32>
      %reduce_max3A_174 = arith.xori %gather3A_169, %reduce_max3A_173 : vector<16xi32>
      %reduce_max3A_175 = tpu.scan <max>, %reduce_max3A_174 masked %reduce_max3A_171 : vector<16xi32>, vector<16xi1> -> vector<16xi32>
      %reduce_max3A_176 = arith.xori %reduce_max3A_175, %reduce_max3A_173 : vector<16xi32>
      %reduce_max3A_177 = vector.extract %reduce_max3A_176[15] : i32 from vector<16xi32>
      %mul3A_178 = arith.constant 4 : i32
      %mul3A_179 = arith.muli %scan3A_58, %mul3A_178 : i32
      %add3A_180 = arith.constant 1 : i32
      %add3A_181 = arith.addi %mul3A_179, %add3A_180 : i32
      %broadcast_in_dim3A_182 = vector.broadcast %add3A_181 : i32 to vector<16xi32>
      %gather3A_183 = tpu.vector_load_idx %arg12[%broadcast_in_dim3A_182] : memref<512xi32, #tpu.memory_space<vmem>>[vector<16xi32>], vector<16xi32>,
      %reduce_max3A_184 = arith.constant true
      %reduce_max3A_185 = vector.broadcast %reduce_max3A_184 : i1 to vector<16xi1>
      %reduce_max3A_186 = arith.constant -2147483648 : i32
      %reduce_max3A_187 = vector.broadcast %reduce_max3A_186 : i32 to vector<16xi32>
      %reduce_max3A_188 = arith.xori %gather3A_183, %reduce_max3A_187 : vector<16xi32>
      %reduce_max3A_189 = tpu.scan <max>, %reduce_max3A_188 masked %reduce_max3A_185 : vector<16xi32>, vector<16xi1> -> vector<16xi32>
      %reduce_max3A_190 = arith.xori %reduce_max3A_189, %reduce_max3A_187 : vector<16xi32>
      %reduce_max3A_191 = vector.extract %reduce_max3A_190[15] : i32 from vector<16xi32>
      %mul3A_192 = arith.constant 4 : i32
      %mul3A_193 = arith.muli %scan3A_58, %mul3A_192 : i32
      %add3A_194 = arith.constant 2 : i32
      %add3A_195 = arith.addi %mul3A_193, %add3A_194 : i32
      %broadcast_in_dim3A_196 = vector.broadcast %add3A_195 : i32 to vector<16xi32>
      %gather3A_197 = tpu.vector_load_idx %arg12[%broadcast_in_dim3A_196] : memref<512xi32, #tpu.memory_space<vmem>>[vector<16xi32>], vector<16xi32>,
      %reduce_max3A_198 = arith.constant true
      %reduce_max3A_199 = vector.broadcast %reduce_max3A_198 : i1 to vector<16xi1>
      %reduce_max3A_200 = arith.constant -2147483648 : i32
      %reduce_max3A_201 = vector.broadcast %reduce_max3A_200 : i32 to vector<16xi32>
      %reduce_max3A_202 = arith.xori %gather3A_197, %reduce_max3A_201 : vector<16xi32>
      %reduce_max3A_203 = tpu.scan <max>, %reduce_max3A_202 masked %reduce_max3A_199 : vector<16xi32>, vector<16xi1> -> vector<16xi32>
      %reduce_max3A_204 = arith.xori %reduce_max3A_203, %reduce_max3A_201 : vector<16xi32>
      %reduce_max3A_205 = vector.extract %reduce_max3A_204[15] : i32 from vector<16xi32>
      %mul3A_206 = arith.constant 4 : i32
      %mul3A_207 = arith.muli %scan3A_58, %mul3A_206 : i32
      %add3A_208 = arith.constant 3 : i32
      %add3A_209 = arith.addi %mul3A_207, %add3A_208 : i32
      %broadcast_in_dim3A_210 = vector.broadcast %add3A_209 : i32 to vector<16xi32>
      %gather3A_211 = tpu.vector_load_idx %arg12[%broadcast_in_dim3A_210] : memref<512xi32, #tpu.memory_space<vmem>>[vector<16xi32>], vector<16xi32>,
      %reduce_max3A_212 = arith.constant true
      %reduce_max3A_213 = vector.broadcast %reduce_max3A_212 : i1 to vector<16xi1>
      %reduce_max3A_214 = arith.constant -2147483648 : i32
      %reduce_max3A_215 = vector.broadcast %reduce_max3A_214 : i32 to vector<16xi32>
      %reduce_max3A_216 = arith.xori %gather3A_211, %reduce_max3A_215 : vector<16xi32>
      %reduce_max3A_217 = tpu.scan <max>, %reduce_max3A_216 masked %reduce_max3A_213 : vector<16xi32>, vector<16xi1> -> vector<16xi32>
      %reduce_max3A_218 = arith.xori %reduce_max3A_217, %reduce_max3A_215 : vector<16xi32>
      %reduce_max3A_219 = vector.extract %reduce_max3A_218[15] : i32 from vector<16xi32>
      %dma_start3A_220 = arith.constant 0 : i32
      %dma_start3A_221 = arith.constant 0 : i32
      %dma_start3A_222 = tpu.memref_slice %arg6[%reduce_max3A_163, %dma_start3A_220, %dma_start3A_221] : memref<512x1x512xf32, #tpu.memory_space<hbm>> -> memref<1x1x512xf32, #tpu.memory_space<hbm>>
      %dma_start3A_223 = tpu.memref_squeeze %dma_start3A_222 : memref<1x1x512xf32, #tpu.memory_space<hbm>> -> memref<1x512xf32, #tpu.memory_space<hbm>>
      %dma_start3A_224 = arith.constant 0 : i32
      %dma_start3A_225 = arith.constant 0 : i32
      %dma_start3A_226 = tpu.memref_slice %arg6[%reduce_max3A_163, %dma_start3A_224, %dma_start3A_225] : memref<512x1x512xf32, #tpu.memory_space<hbm>> -> memref<1x1x512xf32, #tpu.memory_space<hbm>>
      %dma_start3A_227 = tpu.memref_squeeze %dma_start3A_226 : memref<1x1x512xf32, #tpu.memory_space<hbm>> -> memref<1x512xf32, #tpu.memory_space<hbm>>
      tpu.enqueue_dma source(%dma_start3A_227 : memref<1x512xf32, #tpu.memory_space<hbm>>) target(%arg21 : memref<1x512xf32, #tpu.memory_space<vmem>>) target_semaphore(%arg26 : memref<!tpu.dma_semaphore, #tpu.memory_space<semaphore_mem>>)
      %dma_start3A_228 = arith.constant 0 : i32
      %dma_start3A_229 = arith.constant 0 : i32
      %dma_start3A_230 = tpu.memref_slice %arg7[%reduce_max3A_163, %dma_start3A_228, %dma_start3A_229] : memref<512x28x512xf32, #tpu.memory_space<hbm>> -> memref<1x28x512xf32, #tpu.memory_space<hbm>>
      %dma_start3A_231 = tpu.memref_squeeze %dma_start3A_230 : memref<1x28x512xf32, #tpu.memory_space<hbm>> -> memref<28x512xf32, #tpu.memory_space<hbm>>
      %dma_start3A_232 = arith.constant 0 : i32
      %dma_start3A_233 = arith.constant 0 : i32
      %dma_start3A_234 = tpu.memref_slice %arg7[%reduce_max3A_163, %dma_start3A_232, %dma_start3A_233] : memref<512x28x512xf32, #tpu.memory_space<hbm>> -> memref<1x28x512xf32, #tpu.memory_space<hbm>>
      %dma_start3A_235 = tpu.memref_squeeze %dma_start3A_234 : memref<1x28x512xf32, #tpu.memory_space<hbm>> -> memref<28x512xf32, #tpu.memory_space<hbm>>
      tpu.enqueue_dma source(%dma_start3A_235 : memref<28x512xf32, #tpu.memory_space<hbm>>) target(%arg19 : memref<28x512xf32, #tpu.memory_space<vmem>>) target_semaphore(%arg26 : memref<!tpu.dma_semaphore, #tpu.memory_space<semaphore_mem>>)
      %dma_wait3A_236 = arith.constant 0 : i32
      %dma_wait3A_237 = arith.constant 0 : i32
      %dma_wait3A_238 = arith.constant 0 : i32
      %dma_wait3A_239 = arith.constant 0 : i32
      %dma_wait3A_240 = tpu.memref_slice %arg5[%dma_wait3A_236, %dma_wait3A_237, %dma_wait3A_238, %dma_wait3A_239] : memref<512x16x12x512xf32, #tpu.memory_space<hbm>> -> memref<1x1x12x512xf32, #tpu.memory_space<hbm>>
      %dma_wait3A_241 = tpu.memref_squeeze %dma_wait3A_240 : memref<1x1x12x512xf32, #tpu.memory_space<hbm>> -> memref<12x512xf32, #tpu.memory_space<hbm>>
      %dma_wait3A_242 = arith.constant 0 : i32
      %dma_wait3A_243 = arith.constant 0 : i32
      %dma_wait3A_244 = tpu.memref_slice %arg5[%dma_wait3A_236, %dma_wait3A_237, %dma_wait3A_242, %dma_wait3A_243] : memref<512x16x12x512xf32, #tpu.memory_space<hbm>> -> memref<1x1x12x512xf32, #tpu.memory_space<hbm>>
      %dma_wait3A_245 = tpu.memref_squeeze %dma_wait3A_244 : memref<1x1x12x512xf32, #tpu.memory_space<hbm>> -> memref<12x512xf32, #tpu.memory_space<hbm>>
      tpu.wait_dma2 semaphore(%arg25 : memref<!tpu.dma_semaphore, #tpu.memory_space<semaphore_mem>>) src(%dma_wait3A_245 : memref<12x512xf32, #tpu.memory_space<hbm>>) dst(%arg15 : memref<12x512xf32, #tpu.memory_space<vmem>>)
      %dma_wait3A_246 = arith.constant 0 : i32
      %dma_wait3A_247 = arith.constant 0 : i32
      %dma_wait3A_248 = arith.constant 0 : i32
      %dma_wait3A_249 = arith.constant 0 : i32
      %dma_wait3A_250 = tpu.memref_slice %arg5[%dma_wait3A_246, %dma_wait3A_247, %dma_wait3A_248, %dma_wait3A_249] : memref<512x16x12x512xf32, #tpu.memory_space<hbm>> -> memref<1x1x12x512xf32, #tpu.memory_space<hbm>>
      %dma_wait3A_251 = tpu.memref_squeeze %dma_wait3A_250 : memref<1x1x12x512xf32, #tpu.memory_space<hbm>> -> memref<12x512xf32, #tpu.memory_space<hbm>>
      %dma_wait3A_252 = arith.constant 0 : i32
      %dma_wait3A_253 = arith.constant 0 : i32
      %dma_wait3A_254 = tpu.memref_slice %arg5[%dma_wait3A_246, %dma_wait3A_247, %dma_wait3A_252, %dma_wait3A_253] : memref<512x16x12x512xf32, #tpu.memory_space<hbm>> -> memref<1x1x12x512xf32, #tpu.memory_space<hbm>>
      %dma_wait3A_255 = tpu.memref_squeeze %dma_wait3A_254 : memref<1x1x12x512xf32, #tpu.memory_space<hbm>> -> memref<12x512xf32, #tpu.memory_space<hbm>>
      tpu.wait_dma2 semaphore(%arg25 : memref<!tpu.dma_semaphore, #tpu.memory_space<semaphore_mem>>) src(%dma_wait3A_255 : memref<12x512xf32, #tpu.memory_space<hbm>>) dst(%arg16 : memref<12x512xf32, #tpu.memory_space<vmem>>)
      %dma_wait3A_256 = arith.constant 0 : i32
      %dma_wait3A_257 = arith.constant 0 : i32
      %dma_wait3A_258 = arith.constant 0 : i32
      %dma_wait3A_259 = arith.constant 0 : i32
      %dma_wait3A_260 = tpu.memref_slice %arg5[%dma_wait3A_256, %dma_wait3A_257, %dma_wait3A_258, %dma_wait3A_259] : memref<512x16x12x512xf32, #tpu.memory_space<hbm>> -> memref<1x1x12x512xf32, #tpu.memory_space<hbm>>
      %dma_wait3A_261 = tpu.memref_squeeze %dma_wait3A_260 : memref<1x1x12x512xf32, #tpu.memory_space<hbm>> -> memref<12x512xf32, #tpu.memory_space<hbm>>
      %dma_wait3A_262 = arith.constant 0 : i32
      %dma_wait3A_263 = arith.constant 0 : i32
      %dma_wait3A_264 = tpu.memref_slice %arg5[%dma_wait3A_256, %dma_wait3A_257, %dma_wait3A_262, %dma_wait3A_263] : memref<512x16x12x512xf32, #tpu.memory_space<hbm>> -> memref<1x1x12x512xf32, #tpu.memory_space<hbm>>
      %dma_wait3A_265 = tpu.memref_squeeze %dma_wait3A_264 : memref<1x1x12x512xf32, #tpu.memory_space<hbm>> -> memref<12x512xf32, #tpu.memory_space<hbm>>
      tpu.wait_dma2 semaphore(%arg25 : memref<!tpu.dma_semaphore, #tpu.memory_space<semaphore_mem>>) src(%dma_wait3A_265 : memref<12x512xf32, #tpu.memory_space<hbm>>) dst(%arg17 : memref<12x512xf32, #tpu.memory_space<vmem>>)
      %dma_wait3A_266 = arith.constant 0 : i32
      %dma_wait3A_267 = arith.constant 0 : i32
      %dma_wait3A_268 = arith.constant 0 : i32
      %dma_wait3A_269 = arith.constant 0 : i32
      %dma_wait3A_270 = tpu.memref_slice %arg5[%dma_wait3A_266, %dma_wait3A_267, %dma_wait3A_268, %dma_wait3A_269] : memref<512x16x12x512xf32, #tpu.memory_space<hbm>> -> memref<1x1x12x512xf32, #tpu.memory_space<hbm>>
      %dma_wait3A_271 = tpu.memref_squeeze %dma_wait3A_270 : memref<1x1x12x512xf32, #tpu.memory_space<hbm>> -> memref<12x512xf32, #tpu.memory_space<hbm>>
      %dma_wait3A_272 = arith.constant 0 : i32
      %dma_wait3A_273 = arith.constant 0 : i32
      %dma_wait3A_274 = tpu.memref_slice %arg5[%dma_wait3A_266, %dma_wait3A_267, %dma_wait3A_272, %dma_wait3A_273] : memref<512x16x12x512xf32, #tpu.memory_space<hbm>> -> memref<1x1x12x512xf32, #tpu.memory_space<hbm>>
      %dma_wait3A_275 = tpu.memref_squeeze %dma_wait3A_274 : memref<1x1x12x512xf32, #tpu.memory_space<hbm>> -> memref<12x512xf32, #tpu.memory_space<hbm>>
      tpu.wait_dma2 semaphore(%arg25 : memref<!tpu.dma_semaphore, #tpu.memory_space<semaphore_mem>>) src(%dma_wait3A_275 : memref<12x512xf32, #tpu.memory_space<hbm>>) dst(%arg18 : memref<12x512xf32, #tpu.memory_space<vmem>>)
      %dma_wait3A_276 = arith.constant 0 : i32
      %dma_wait3A_277 = arith.constant 0 : i32
      %dma_wait3A_278 = arith.constant 0 : i32
      %dma_wait3A_279 = tpu.memref_slice %arg6[%dma_wait3A_276, %dma_wait3A_277, %dma_wait3A_278] : memref<512x1x512xf32, #tpu.memory_space<hbm>> -> memref<1x1x512xf32, #tpu.memory_space<hbm>>
      %dma_wait3A_280 = tpu.memref_squeeze %dma_wait3A_279 : memref<1x1x512xf32, #tpu.memory_space<hbm>> -> memref<1x512xf32, #tpu.memory_space<hbm>>
      %dma_wait3A_281 = arith.constant 0 : i32
      %dma_wait3A_282 = arith.constant 0 : i32
      %dma_wait3A_283 = tpu.memref_slice %arg6[%dma_wait3A_276, %dma_wait3A_281, %dma_wait3A_282] : memref<512x1x512xf32, #tpu.memory_space<hbm>> -> memref<1x1x512xf32, #tpu.memory_space<hbm>>
      %dma_wait3A_284 = tpu.memref_squeeze %dma_wait3A_283 : memref<1x1x512xf32, #tpu.memory_space<hbm>> -> memref<1x512xf32, #tpu.memory_space<hbm>>
      tpu.wait_dma2 semaphore(%arg26 : memref<!tpu.dma_semaphore, #tpu.memory_space<semaphore_mem>>) src(%dma_wait3A_284 : memref<1x512xf32, #tpu.memory_space<hbm>>) dst(%arg21 : memref<1x512xf32, #tpu.memory_space<vmem>>)
      %dma_wait3A_285 = arith.constant 0 : i32
      %dma_wait3A_286 = arith.constant 0 : i32
      %dma_wait3A_287 = arith.constant 0 : i32
      %dma_wait3A_288 = tpu.memref_slice %arg7[%dma_wait3A_285, %dma_wait3A_286, %dma_wait3A_287] : memref<512x28x512xf32, #tpu.memory_space<hbm>> -> memref<1x28x512xf32, #tpu.memory_space<hbm>>
      %dma_wait3A_289 = tpu.memref_squeeze %dma_wait3A_288 : memref<1x28x512xf32, #tpu.memory_space<hbm>> -> memref<28x512xf32, #tpu.memory_space<hbm>>
      %dma_wait3A_290 = arith.constant 0 : i32
      %dma_wait3A_291 = arith.constant 0 : i32
      %dma_wait3A_292 = tpu.memref_slice %arg7[%dma_wait3A_285, %dma_wait3A_290, %dma_wait3A_291] : memref<512x28x512xf32, #tpu.memory_space<hbm>> -> memref<1x28x512xf32, #tpu.memory_space<hbm>>
      %dma_wait3A_293 = tpu.memref_squeeze %dma_wait3A_292 : memref<1x28x512xf32, #tpu.memory_space<hbm>> -> memref<28x512xf32, #tpu.memory_space<hbm>>
      tpu.wait_dma2 semaphore(%arg26 : memref<!tpu.dma_semaphore, #tpu.memory_space<semaphore_mem>>) src(%dma_wait3A_293 : memref<28x512xf32, #tpu.memory_space<hbm>>) dst(%arg19 : memref<28x512xf32, #tpu.memory_space<vmem>>)
      %get3A = arith.constant 0 : i32
      %get3A_294 = arith.index_cast %get3A : i32 to index
      %get3A_295 = arith.constant 0 : index
      %get3A_296 = tpu.vector_load %arg21[%get3A_294, %get3A_295] {strides = array<i32>} : memref<1x512xf32, #tpu.memory_space<vmem>>, vector<16xf32>,
      %swap3A = arith.constant 0 : i32
      %swap3A_297 = arith.index_cast %swap3A : i32 to index
      %swap3A_298 = arith.constant 0 : index
      %swap3A_299 = tpu.vector_load %arg23[%swap3A_297, %swap3A_298] {strides = array<i32>} : memref<48x512xf32, #tpu.memory_space<vmem>>, vector<16xf32>,
      tpu.vector_store %arg23[%swap3A_297, %swap3A_298], %get3A_296 {strides = array<i32>} : memref<48x512xf32, #tpu.memory_space<vmem>>, vector<16xf32>,
      %get3A_300 = arith.constant 0 : i32
      %get3A_301 = arith.index_cast %get3A_300 : i32 to index
      %get3A_302 = arith.constant 16 : index
      %get3A_303 = tpu.vector_load %arg21[%get3A_301, %get3A_302] {strides = array<i32>} : memref<1x512xf32, #tpu.memory_space<vmem>>, vector<16xf32>,
      %swap3A_304 = arith.constant 0 : i32
      %swap3A_305 = arith.index_cast %swap3A_304 : i32 to index
      %swap3A_306 = arith.constant 16 : index
      %swap3A_307 = tpu.vector_load %arg23[%swap3A_305, %swap3A_306] {strides = array<i32>} : memref<48x512xf32, #tpu.memory_space<vmem>>, vector<16xf32>,
      tpu.vector_store %arg23[%swap3A_305, %swap3A_306], %get3A_303 {strides = array<i32>} : memref<48x512xf32, #tpu.memory_space<vmem>>, vector<16xf32>,
      %get3A_308 = arith.constant 0 : i32
      %get3A_309 = arith.index_cast %get3A_308 : i32 to index
      %get3A_310 = arith.constant 32 : index
      %get3A_311 = tpu.vector_load %arg21[%get3A_309, %get3A_310] {strides = array<i32>} : memref<1x512xf32, #tpu.memory_space<vmem>>, vector<16xf32>,
      %swap3A_312 = arith.constant 0 : i32
      %swap3A_313 = arith.index_cast %swap3A_312 : i32 to index
      %swap3A_314 = arith.constant 32 : index
      %swap3A_315 = tpu.vector_load %arg23[%swap3A_313, %swap3A_314] {strides = array<i32>} : memref<48x512xf32, #tpu.memory_space<vmem>>, vector<16xf32>,
      tpu.vector_store %arg23[%swap3A_313, %swap3A_314], %get3A_311 {strides = array<i32>} : memref<48x512xf32, #tpu.memory_space<vmem>>, vector<16xf32>,
      %get3A_316 = arith.constant 0 : i32
      %get3A_317 = arith.index_cast %get3A_316 : i32 to index
      %get3A_318 = arith.constant 48 : index
      %get3A_319 = tpu.vector_load %arg21[%get3A_317, %get3A_318] {strides = array<i32>} : memref<1x512xf32, #tpu.memory_space<vmem>>, vector<16xf32>,
      %swap3A_320 = arith.constant 0 : i32
      %swap3A_321 = arith.index_cast %swap3A_320 : i32 to index
      %swap3A_322 = arith.constant 48 : index
      %swap3A_323 = tpu.vector_load %arg23[%swap3A_321, %swap3A_322] {strides = array<i32>} : memref<48x512xf32, #tpu.memory_space<vmem>>, vector<16xf32>,
      tpu.vector_store %arg23[%swap3A_321, %swap3A_322], %get3A_319 {strides = array<i32>} : memref<48x512xf32, #tpu.memory_space<vmem>>, vector<16xf32>,
      %get3A_324 = arith.constant 0 : i32
      %get3A_325 = arith.index_cast %get3A_324 : i32 to index
      %get3A_326 = arith.constant 64 : index
      %get3A_327 = tpu.vector_load %arg21[%get3A_325, %get3A_326] {strides = array<i32>} : memref<1x512xf32, #tpu.memory_space<vmem>>, vector<16xf32>,
      %swap3A_328 = arith.constant 0 : i32
      %swap3A_329 = arith.index_cast %swap3A_328 : i32 to index
      %swap3A_330 = arith.constant 64 : index
      %swap3A_331 = tpu.vector_load %arg23[%swap3A_329, %swap3A_330] {strides = array<i32>} : memref<48x512xf32, #tpu.memory_space<vmem>>, vector<16xf32>,
      tpu.vector_store %arg23[%swap3A_329, %swap3A_330], %get3A_327 {strides = array<i32>} : memref<48x512xf32, #tpu.memory_space<vmem>>, vector<16xf32>,
      %get3A_332 = arith.constant 0 : i32
      %get3A_333 = arith.index_cast %get3A_332 : i32 to index
      %get3A_334 = arith.constant 80 : index
      %get3A_335 = tpu.vector_load %arg21[%get3A_333, %get3A_334] {strides = array<i32>} : memref<1x512xf32, #tpu.memory_space<vmem>>, vector<16xf32>,
      %swap3A_336 = arith.constant 0 : i32
      %swap3A_337 = arith.index_cast %swap3A_336 : i32 to index
      %swap3A_338 = arith.constant 80 : index
      %swap3A_339 = tpu.vector_load %arg23[%swap3A_337, %swap3A_338] {strides = array<i32>} : memref<48x512xf32, #tpu.memory_space<vmem>>, vector<16xf32>,
      tpu.vector_store %arg23[%swap3A_337, %swap3A_338], %get3A_335 {strides = array<i32>} : memref<48x512xf32, #tpu.memory_space<vmem>>, vector<16xf32>,
      %get3A_340 = arith.constant 0 : i32
      %get3A_341 = arith.index_cast %get3A_340 : i32 to index
      %get3A_342 = arith.constant 96 : index
      %get3A_343 = tpu.vector_load %arg21[%get3A_341, %get3A_342] {strides = array<i32>} : memref<1x512xf32, #tpu.memory_space<vmem>>, vector<16xf32>,
      %swap3A_344 = arith.constant 0 : i32
      %swap3A_345 = arith.index_cast %swap3A_344 : i32 to index
      %swap3A_346 = arith.constant 96 : index
      %swap3A_347 = tpu.vector_load %arg23[%swap3A_345, %swap3A_346] {strides = array<i32>} : memref<48x512xf32, #tpu.memory_space<vmem>>, vector<16xf32>,
      tpu.vector_store %arg23[%swap3A_345, %swap3A_346], %get3A_343 {strides = array<i32>} : memref<48x512xf32, #tpu.memory_space<vmem>>, vector<16xf32>,
      %get3A_348 = arith.constant 0 : i32
      %get3A_349 = arith.index_cast %get3A_348 : i32 to index
      %get3A_350 = arith.constant 112 : index
      %get3A_351 = tpu.vector_load %arg21[%get3A_349, %get3A_350] {strides = array<i32>} : memref<1x512xf32, #tpu.memory_space<vmem>>, vector<16xf32>,
      %swap3A_352 = arith.constant 0 : i32
      %swap3A_353 = arith.index_cast %swap3A_352 : i32 to index
      %swap3A_354 = arith.constant 112 : index
      %swap3A_355 = tpu.vector_load %arg23[%swap3A_353, %swap3A_354] {strides = array<i32>} : memref<48x512xf32, #tpu.memory_space<vmem>>, vector<16xf32>,
      tpu.vector_store %arg23[%swap3A_353, %swap3A_354], %get3A_351 {strides = array<i32>} : memref<48x512xf32, #tpu.memory_space<vmem>>, vector<16xf32>,
      %get3A_356 = arith.constant 0 : i32
      %get3A_357 = arith.index_cast %get3A_356 : i32 to index
      %get3A_358 = arith.constant 128 : index
      %get3A_359 = tpu.vector_load %arg21[%get3A_357, %get3A_358] {strides = array<i32>} : memref<1x512xf32, #tpu.memory_space<vmem>>, vector<16xf32>,
      %swap3A_360 = arith.constant 0 : i32
      %swap3A_361 = arith.index_cast %swap3A_360 : i32 to index
      %swap3A_362 = arith.constant 128 : index
      %swap3A_363 = tpu.vector_load %arg23[%swap3A_361, %swap3A_362] {strides = array<i32>} : memref<48x512xf32, #tpu.memory_space<vmem>>, vector<16xf32>,
      tpu.vector_store %arg23[%swap3A_361, %swap3A_362], %get3A_359 {strides = array<i32>} : memref<48x512xf32, #tpu.memory_space<vmem>>, vector<16xf32>,
      %get3A_364 = arith.constant 0 : i32
      %get3A_365 = arith.index_cast %get3A_364 : i32 to index
      %get3A_366 = arith.constant 144 : index
      %get3A_367 = tpu.vector_load %arg21[%get3A_365, %get3A_366] {strides = array<i32>} : memref<1x512xf32, #tpu.memory_space<vmem>>, vector<16xf32>,
      %swap3A_368 = arith.constant 0 : i32
      %swap3A_369 = arith.index_cast %swap3A_368 : i32 to index
      %swap3A_370 = arith.constant 144 : index
      %swap3A_371 = tpu.vector_load %arg23[%swap3A_369, %swap3A_370] {strides = array<i32>} : memref<48x512xf32, #tpu.memory_space<vmem>>, vector<16xf32>,
      tpu.vector_store %arg23[%swap3A_369, %swap3A_370], %get3A_367 {strides = array<i32>} : memref<48x512xf32, #tpu.memory_space<vmem>>, vector<16xf32>,
      %get3A_372 = arith.constant 0 : i32
      %get3A_373 = arith.index_cast %get3A_372 : i32 to index
      %get3A_374 = arith.constant 160 : index
      %get3A_375 = tpu.vector_load %arg21[%get3A_373, %get3A_374] {strides = array<i32>} : memref<1x512xf32, #tpu.memory_space<vmem>>, vector<16xf32>,
      %swap3A_376 = arith.constant 0 : i32
      %swap3A_377 = arith.index_cast %swap3A_376 : i32 to index
      %swap3A_378 = arith.constant 160 : index
      %swap3A_379 = tpu.vector_load %arg23[%swap3A_377, %swap3A_378] {strides = array<i32>} : memref<48x512xf32, #tpu.memory_space<vmem>>, vector<16xf32>,
      tpu.vector_store %arg23[%swap3A_377, %swap3A_378], %get3A_375 {strides = array<i32>} : memref<48x512xf32, #tpu.memory_space<vmem>>, vector<16xf32>,
      %get3A_380 = arith.constant 0 : i32
      %get3A_381 = arith.index_cast %get3A_380 : i32 to index
      %get3A_382 = arith.constant 176 : index
      %get3A_383 = tpu.vector_load %arg21[%get3A_381, %get3A_382] {strides = array<i32>} : memref<1x512xf32, #tpu.memory_space<vmem>>, vector<16xf32>,
      %swap3A_384 = arith.constant 0 : i32
      %swap3A_385 = arith.index_cast %swap3A_384 : i32 to index
      %swap3A_386 = arith.constant 176 : index
      %swap3A_387 = tpu.vector_load %arg23[%swap3A_385, %swap3A_386] {strides = array<i32>} : memref<48x512xf32, #tpu.memory_space<vmem>>, vector<16xf32>,
      tpu.vector_store %arg23[%swap3A_385, %swap3A_386], %get3A_383 {strides = array<i32>} : memref<48x512xf32, #tpu.memory_space<vmem>>, vector<16xf32>,
      %get3A_388 = arith.constant 0 : i32
      %get3A_389 = arith.index_cast %get3A_388 : i32 to index
      %get3A_390 = arith.constant 192 : index
      %get3A_391 = tpu.vector_load %arg21[%get3A_389, %get3A_390] {strides = array<i32>} : memref<1x512xf32, #tpu.memory_space<vmem>>, vector<16xf32>,
      %swap3A_392 = arith.constant 0 : i32
      %swap3A_393 = arith.index_cast %swap3A_392 : i32 to index
      %swap3A_394 = arith.constant 192 : index
      %swap3A_395 = tpu.vector_load %arg23[%swap3A_393, %swap3A_394] {strides = array<i32>} : memref<48x512xf32, #tpu.memory_space<vmem>>, vector<16xf32>,
      tpu.vector_store %arg23[%swap3A_393, %swap3A_394], %get3A_391 {strides = array<i32>} : memref<48x512xf32, #tpu.memory_space<vmem>>, vector<16xf32>,
      %get3A_396 = arith.constant 0 : i32
      %get3A_397 = arith.index_cast %get3A_396 : i32 to index
      %get3A_398 = arith.constant 208 : index
      %get3A_399 = tpu.vector_load %arg21[%get3A_397, %get3A_398] {strides = array<i32>} : memref<1x512xf32, #tpu.memory_space<vmem>>, vector<16xf32>,
      %swap3A_400 = arith.constant 0 : i32
      %swap3A_401 = arith.index_cast %swap3A_400 : i32 to index
      %swap3A_402 = arith.constant 208 : index
      %swap3A_403 = tpu.vector_load %arg23[%swap3A_401, %swap3A_402] {strides = array<i32>} : memref<48x512xf32, #tpu.memory_space<vmem>>, vector<16xf32>,
      tpu.vector_store %arg23[%swap3A_401, %swap3A_402], %get3A_399 {strides = array<i32>} : memref<48x512xf32, #tpu.memory_space<vmem>>, vector<16xf32>,
      %get3A_404 = arith.constant 0 : i32
      %get3A_405 = arith.index_cast %get3A_404 : i32 to index
      %get3A_406 = arith.constant 224 : index
      %get3A_407 = tpu.vector_load %arg21[%get3A_405, %get3A_406] {strides = array<i32>} : memref<1x512xf32, #tpu.memory_space<vmem>>, vector<16xf32>,
      %swap3A_408 = arith.constant 0 : i32
      %swap3A_409 = arith.index_cast %swap3A_408 : i32 to index
      %swap3A_410 = arith.constant 224 : index
      %swap3A_411 = tpu.vector_load %arg23[%swap3A_409, %swap3A_410] {strides = array<i32>} : memref<48x512xf32, #tpu.memory_space<vmem>>, vector<16xf32>,
      tpu.vector_store %arg23[%swap3A_409, %swap3A_410], %get3A_407 {strides = array<i32>} : memref<48x512xf32, #tpu.memory_space<vmem>>, vector<16xf32>,
      %get3A_412 = arith.constant 0 : i32
      %get3A_413 = arith.index_cast %get3A_412 : i32 to index
      %get3A_414 = arith.constant 240 : index
      %get3A_415 = tpu.vector_load %arg21[%get3A_413, %get3A_414] {strides = array<i32>} : memref<1x512xf32, #tpu.memory_space<vmem>>, vector<16xf32>,
      %swap3A_416 = arith.constant 0 : i32
      %swap3A_417 = arith.index_cast %swap3A_416 : i32 to index
      %swap3A_418 = arith.constant 240 : index
      %swap3A_419 = tpu.vector_load %arg23[%swap3A_417, %swap3A_418] {strides = array<i32>} : memref<48x512xf32, #tpu.memory_space<vmem>>, vector<16xf32>,
      tpu.vector_store %arg23[%swap3A_417, %swap3A_418], %get3A_415 {strides = array<i32>} : memref<48x512xf32, #tpu.memory_space<vmem>>, vector<16xf32>,
      %get3A_420 = arith.constant 0 : i32
      %get3A_421 = arith.index_cast %get3A_420 : i32 to index
      %get3A_422 = arith.constant 256 : index
      %get3A_423 = tpu.vector_load %arg21[%get3A_421, %get3A_422] {strides = array<i32>} : memref<1x512xf32, #tpu.memory_space<vmem>>, vector<16xf32>,
      %swap3A_424 = arith.constant 0 : i32
      %swap3A_425 = arith.index_cast %swap3A_424 : i32 to index
      %swap3A_426 = arith.constant 256 : index
      %swap3A_427 = tpu.vector_load %arg23[%swap3A_425, %swap3A_426] {strides = array<i32>} : memref<48x512xf32, #tpu.memory_space<vmem>>, vector<16xf32>,
      tpu.vector_store %arg23[%swap3A_425, %swap3A_426], %get3A_423 {strides = array<i32>} : memref<48x512xf32, #tpu.memory_space<vmem>>, vector<16xf32>,
      %get3A_428 = arith.constant 0 : i32
      %get3A_429 = arith.index_cast %get3A_428 : i32 to index
      %get3A_430 = arith.constant 272 : index
      %get3A_431 = tpu.vector_load %arg21[%get3A_429, %get3A_430] {strides = array<i32>} : memref<1x512xf32, #tpu.memory_space<vmem>>, vector<16xf32>,
      %swap3A_432 = arith.constant 0 : i32
      %swap3A_433 = arith.index_cast %swap3A_432 : i32 to index
      %swap3A_434 = arith.constant 272 : index
      %swap3A_435 = tpu.vector_load %arg23[%swap3A_433, %swap3A_434] {strides = array<i32>} : memref<48x512xf32, #tpu.memory_space<vmem>>, vector<16xf32>,
      tpu.vector_store %arg23[%swap3A_433, %swap3A_434], %get3A_431 {strides = array<i32>} : memref<48x512xf32, #tpu.memory_space<vmem>>, vector<16xf32>,
      %get3A_436 = arith.constant 0 : i32
      %get3A_437 = arith.index_cast %get3A_436 : i32 to index
      %get3A_438 = arith.constant 288 : index
      %get3A_439 = tpu.vector_load %arg21[%get3A_437, %get3A_438] {strides = array<i32>} : memref<1x512xf32, #tpu.memory_space<vmem>>, vector<16xf32>,
      %swap3A_440 = arith.constant 0 : i32
      %swap3A_441 = arith.index_cast %swap3A_440 : i32 to index
      %swap3A_442 = arith.constant 288 : index
      %swap3A_443 = tpu.vector_load %arg23[%swap3A_441, %swap3A_442] {strides = array<i32>} : memref<48x512xf32, #tpu.memory_space<vmem>>, vector<16xf32>,
      tpu.vector_store %arg23[%swap3A_441, %swap3A_442], %get3A_439 {strides = array<i32>} : memref<48x512xf32, #tpu.memory_space<vmem>>, vector<16xf32>,
      %get3A_444 = arith.constant 0 : i32
      %get3A_445 = arith.index_cast %get3A_444 : i32 to index
      %get3A_446 = arith.constant 304 : index
      %get3A_447 = tpu.vector_load %arg21[%get3A_445, %get3A_446] {strides = array<i32>} : memref<1x512xf32, #tpu.memory_space<vmem>>, vector<16xf32>,
      %swap3A_448 = arith.constant 0 : i32
      %swap3A_449 = arith.index_cast %swap3A_448 : i32 to index
      %swap3A_450 = arith.constant 304 : index
      %swap3A_451 = tpu.vector_load %arg23[%swap3A_449, %swap3A_450] {strides = array<i32>} : memref<48x512xf32, #tpu.memory_space<vmem>>, vector<16xf32>,
      tpu.vector_store %arg23[%swap3A_449, %swap3A_450], %get3A_447 {strides = array<i32>} : memref<48x512xf32, #tpu.memory_space<vmem>>, vector<16xf32>,
      %get3A_452 = arith.constant 0 : i32
      %get3A_453 = arith.index_cast %get3A_452 : i32 to index
      %get3A_454 = arith.constant 320 : index
      %get3A_455 = tpu.vector_load %arg21[%get3A_453, %get3A_454] {strides = array<i32>} : memref<1x512xf32, #tpu.memory_space<vmem>>, vector<16xf32>,
      %swap3A_456 = arith.constant 0 : i32
      %swap3A_457 = arith.index_cast %swap3A_456 : i32 to index
      %swap3A_458 = arith.constant 320 : index
      %swap3A_459 = tpu.vector_load %arg23[%swap3A_457, %swap3A_458] {strides = array<i32>} : memref<48x512xf32, #tpu.memory_space<vmem>>, vector<16xf32>,
      tpu.vector_store %arg23[%swap3A_457, %swap3A_458], %get3A_455 {strides = array<i32>} : memref<48x512xf32, #tpu.memory_space<vmem>>, vector<16xf32>,
      %get3A_460 = arith.constant 0 : i32
      %get3A_461 = arith.index_cast %get3A_460 : i32 to index
      %get3A_462 = arith.constant 336 : index
      %get3A_463 = tpu.vector_load %arg21[%get3A_461, %get3A_462] {strides = array<i32>} : memref<1x512xf32, #tpu.memory_space<vmem>>, vector<16xf32>,
      %swap3A_464 = arith.constant 0 : i32
      %swap3A_465 = arith.index_cast %swap3A_464 : i32 to index
      %swap3A_466 = arith.constant 336 : index
      %swap3A_467 = tpu.vector_load %arg23[%swap3A_465, %swap3A_466] {strides = array<i32>} : memref<48x512xf32, #tpu.memory_space<vmem>>, vector<16xf32>,
      tpu.vector_store %arg23[%swap3A_465, %swap3A_466], %get3A_463 {strides = array<i32>} : memref<48x512xf32, #tpu.memory_space<vmem>>, vector<16xf32>,
      %get3A_468 = arith.constant 0 : i32
      %get3A_469 = arith.index_cast %get3A_468 : i32 to index
      %get3A_470 = arith.constant 352 : index
      %get3A_471 = tpu.vector_load %arg21[%get3A_469, %get3A_470] {strides = array<i32>} : memref<1x512xf32, #tpu.memory_space<vmem>>, vector<16xf32>,
      %swap3A_472 = arith.constant 0 : i32
      %swap3A_473 = arith.index_cast %swap3A_472 : i32 to index
      %swap3A_474 = arith.constant 352 : index
      %swap3A_475 = tpu.vector_load %arg23[%swap3A_473, %swap3A_474] {strides = array<i32>} : memref<48x512xf32, #tpu.memory_space<vmem>>, vector<16xf32>,
      tpu.vector_store %arg23[%swap3A_473, %swap3A_474], %get3A_471 {strides = array<i32>} : memref<48x512xf32, #tpu.memory_space<vmem>>, vector<16xf32>,
      %get3A_476 = arith.constant 0 : i32
      %get3A_477 = arith.index_cast %get3A_476 : i32 to index
      %get3A_478 = arith.constant 368 : index
      %get3A_479 = tpu.vector_load %arg21[%get3A_477, %get3A_478] {strides = array<i32>} : memref<1x512xf32, #tpu.memory_space<vmem>>, vector<16xf32>,
      %swap3A_480 = arith.constant 0 : i32
      %swap3A_481 = arith.index_cast %swap3A_480 : i32 to index
      %swap3A_482 = arith.constant 368 : index
      %swap3A_483 = tpu.vector_load %arg23[%swap3A_481, %swap3A_482] {strides = array<i32>} : memref<48x512xf32, #tpu.memory_space<vmem>>, vector<16xf32>,
      tpu.vector_store %arg23[%swap3A_481, %swap3A_482], %get3A_479 {strides = array<i32>} : memref<48x512xf32, #tpu.memory_space<vmem>>, vector<16xf32>,
      %get3A_484 = arith.constant 0 : i32
      %get3A_485 = arith.index_cast %get3A_484 : i32 to index
      %get3A_486 = arith.constant 384 : index
      %get3A_487 = tpu.vector_load %arg21[%get3A_485, %get3A_486] {strides = array<i32>} : memref<1x512xf32, #tpu.memory_space<vmem>>, vector<16xf32>,
      %swap3A_488 = arith.constant 0 : i32
      %swap3A_489 = arith.index_cast %swap3A_488 : i32 to index
      %swap3A_490 = arith.constant 384 : index
      %swap3A_491 = tpu.vector_load %arg23[%swap3A_489, %swap3A_490] {strides = array<i32>} : memref<48x512xf32, #tpu.memory_space<vmem>>, vector<16xf32>,
      tpu.vector_store %arg23[%swap3A_489, %swap3A_490], %get3A_487 {strides = array<i32>} : memref<48x512xf32, #tpu.memory_space<vmem>>, vector<16xf32>,
      %get3A_492 = arith.constant 0 : i32
      %get3A_493 = arith.index_cast %get3A_492 : i32 to index
      %get3A_494 = arith.constant 400 : index
      %get3A_495 = tpu.vector_load %arg21[%get3A_493, %get3A_494] {strides = array<i32>} : memref<1x512xf32, #tpu.memory_space<vmem>>, vector<16xf32>,
      %swap3A_496 = arith.constant 0 : i32
      %swap3A_497 = arith.index_cast %swap3A_496 : i32 to index
      %swap3A_498 = arith.constant 400 : index
      %swap3A_499 = tpu.vector_load %arg23[%swap3A_497, %swap3A_498] {strides = array<i32>} : memref<48x512xf32, #tpu.memory_space<vmem>>, vector<16xf32>,
      tpu.vector_store %arg23[%swap3A_497, %swap3A_498], %get3A_495 {strides = array<i32>} : memref<48x512xf32, #tpu.memory_space<vmem>>, vector<16xf32>,
      %get3A_500 = arith.constant 0 : i32
      %get3A_501 = arith.index_cast %get3A_500 : i32 to index
      %get3A_502 = arith.constant 416 : index
      %get3A_503 = tpu.vector_load %arg21[%get3A_501, %get3A_502] {strides = array<i32>} : memref<1x512xf32, #tpu.memory_space<vmem>>, vector<16xf32>,
      %swap3A_504 = arith.constant 0 : i32
      %swap3A_505 = arith.index_cast %swap3A_504 : i32 to index
      %swap3A_506 = arith.constant 416 : index
      %swap3A_507 = tpu.vector_load %arg23[%swap3A_505, %swap3A_506] {strides = array<i32>} : memref<48x512xf32, #tpu.memory_space<vmem>>, vector<16xf32>,
      tpu.vector_store %arg23[%swap3A_505, %swap3A_506], %get3A_503 {strides = array<i32>} : memref<48x512xf32, #tpu.memory_space<vmem>>, vector<16xf32>,
      %get3A_508 = arith.constant 0 : i32
      %get3A_509 = arith.index_cast %get3A_508 : i32 to index
      %get3A_510 = arith.constant 432 : index
      %get3A_511 = tpu.vector_load %arg21[%get3A_509, %get3A_510] {strides = array<i32>} : memref<1x512xf32, #tpu.memory_space<vmem>>, vector<16xf32>,
      %swap3A_512 = arith.constant 0 : i32
      %swap3A_513 = arith.index_cast %swap3A_512 : i32 to index
      %swap3A_514 = arith.constant 432 : index
      %swap3A_515 = tpu.vector_load %arg23[%swap3A_513, %swap3A_514] {strides = array<i32>} : memref<48x512xf32, #tpu.memory_space<vmem>>, vector<16xf32>,
      tpu.vector_store %arg23[%swap3A_513, %swap3A_514], %get3A_511 {strides = array<i32>} : memref<48x512xf32, #tpu.memory_space<vmem>>, vector<16xf32>,
      %get3A_516 = arith.constant 0 : i32
      %get3A_517 = arith.index_cast %get3A_516 : i32 to index
      %get3A_518 = arith.constant 448 : index
      %get3A_519 = tpu.vector_load %arg21[%get3A_517, %get3A_518] {strides = array<i32>} : memref<1x512xf32, #tpu.memory_space<vmem>>, vector<16xf32>,
      %swap3A_520 = arith.constant 0 : i32
      %swap3A_521 = arith.index_cast %swap3A_520 : i32 to index
      %swap3A_522 = arith.constant 448 : index
      %swap3A_523 = tpu.vector_load %arg23[%swap3A_521, %swap3A_522] {strides = array<i32>} : memref<48x512xf32, #tpu.memory_space<vmem>>, vector<16xf32>,
      tpu.vector_store %arg23[%swap3A_521, %swap3A_522], %get3A_519 {strides = array<i32>} : memref<48x512xf32, #tpu.memory_space<vmem>>, vector<16xf32>,
      %get3A_524 = arith.constant 0 : i32
      %get3A_525 = arith.index_cast %get3A_524 : i32 to index
      %get3A_526 = arith.constant 464 : index
      %get3A_527 = tpu.vector_load %arg21[%get3A_525, %get3A_526] {strides = array<i32>} : memref<1x512xf32, #tpu.memory_space<vmem>>, vector<16xf32>,
      %swap3A_528 = arith.constant 0 : i32
      %swap3A_529 = arith.index_cast %swap3A_528 : i32 to index
      %swap3A_530 = arith.constant 464 : index
      %swap3A_531 = tpu.vector_load %arg23[%swap3A_529, %swap3A_530] {strides = array<i32>} : memref<48x512xf32, #tpu.memory_space<vmem>>, vector<16xf32>,
      tpu.vector_store %arg23[%swap3A_529, %swap3A_530], %get3A_527 {strides = array<i32>} : memref<48x512xf32, #tpu.memory_space<vmem>>, vector<16xf32>,
      %get3A_532 = arith.constant 0 : i32
      %get3A_533 = arith.index_cast %get3A_532 : i32 to index
      %get3A_534 = arith.constant 480 : index
      %get3A_535 = tpu.vector_load %arg21[%get3A_533, %get3A_534] {strides = array<i32>} : memref<1x512xf32, #tpu.memory_space<vmem>>, vector<16xf32>,
      %swap3A_536 = arith.constant 0 : i32
      %swap3A_537 = arith.index_cast %swap3A_536 : i32 to index
      %swap3A_538 = arith.constant 480 : index
      %swap3A_539 = tpu.vector_load %arg23[%swap3A_537, %swap3A_538] {strides = array<i32>} : memref<48x512xf32, #tpu.memory_space<vmem>>, vector<16xf32>,
      tpu.vector_store %arg23[%swap3A_537, %swap3A_538], %get3A_535 {strides = array<i32>} : memref<48x512xf32, #tpu.memory_space<vmem>>, vector<16xf32>,
      %get3A_540 = arith.constant 0 : i32
      %get3A_541 = arith.index_cast %get3A_540 : i32 to index
      %get3A_542 = arith.constant 496 : index
      %get3A_543 = tpu.vector_load %arg21[%get3A_541, %get3A_542] {strides = array<i32>} : memref<1x512xf32, #tpu.memory_space<vmem>>, vector<16xf32>,
      %swap3A_544 = arith.constant 0 : i32
      %swap3A_545 = arith.index_cast %swap3A_544 : i32 to index
      %swap3A_546 = arith.constant 496 : index
      %swap3A_547 = tpu.vector_load %arg23[%swap3A_545, %swap3A_546] {strides = array<i32>} : memref<48x512xf32, #tpu.memory_space<vmem>>, vector<16xf32>,
      tpu.vector_store %arg23[%swap3A_545, %swap3A_546], %get3A_543 {strides = array<i32>} : memref<48x512xf32, #tpu.memory_space<vmem>>, vector<16xf32>,
      %mul3A_548 = arith.constant 4 : i32
      %mul3A_549 = arith.muli %scan3A_58, %mul3A_548 : i32
      %add3A_550 = arith.constant 0 : i32
      %add3A_551 = arith.addi %mul3A_549, %add3A_550 : i32
      %broadcast_in_dim3A_552 = vector.broadcast %add3A_551 : i32 to vector<16xi32>
      %gather3A_553 = tpu.vector_load_idx %arg13[%broadcast_in_dim3A_552] : memref<512xf32, #tpu.memory_space<vmem>>[vector<16xi32>], vector<16xf32>,
      %parallel_loop3A = arith.constant 0 : i32
      %parallel_loop3A_554 = arith.constant 384 : i32
      %parallel_loop3A_555 = arith.constant 1 : i32
      scf.for %parallel_loop3A_648 = %parallel_loop3A to %parallel_loop3A_554 step %parallel_loop3A_555  : i32 {
        %parallel_loop3A_649 = arith.constant 5 : i32
        %parallel_loop3A_650 = arith.shrui %parallel_loop3A_648, %parallel_loop3A_649 : i32
        %parallel_loop3A_651 = arith.constant 31 : i32
        %parallel_loop3A_652 = arith.andi %parallel_loop3A_648, %parallel_loop3A_651 : i32
        %parallel_loop3A_653 = arith.constant 16 : i32
        %parallel_loop3A_654 = arith.muli %parallel_loop3A_652, %parallel_loop3A_653 : i32
        %parallel_loop3A_655 = arith.index_cast %parallel_loop3A_650 : i32 to index
        %parallel_loop3A_656 = arith.index_cast %parallel_loop3A_654 : i32 to index
        %parallel_loop3A_657 = tpu.vector_load %arg15[%parallel_loop3A_655, %parallel_loop3A_656] {strides = array<i32>} : memref<12x512xf32, #tpu.memory_space<vmem>>, vector<16xf32>,
        %parallel_loop3A_658 = arith.mulf %parallel_loop3A_657, %gather3A_553 : vector<16xf32>
        %parallel_loop3A_659 = arith.constant 1 : i32
        %parallel_loop3A_660 = arith.addi %parallel_loop3A_659, %parallel_loop3A_650 : i32
        %parallel_loop3A_661 = arith.index_cast %parallel_loop3A_660 : i32 to index
        %parallel_loop3A_662 = arith.index_cast %parallel_loop3A_654 : i32 to index
        %parallel_loop3A_663 = tpu.vector_load %arg23[%parallel_loop3A_661, %parallel_loop3A_662] {strides = array<i32>} : memref<48x512xf32, #tpu.memory_space<vmem>>, vector<16xf32>,
        tpu.vector_store %arg23[%parallel_loop3A_661, %parallel_loop3A_662], %parallel_loop3A_658 {strides = array<i32>} : memref<48x512xf32, #tpu.memory_space<vmem>>, vector<16xf32>,
      } {sc.loop_unroll_factor = 8 : i64, sc.parallel_access}
      %mul3A_556 = arith.constant 4 : i32
      %mul3A_557 = arith.muli %scan3A_58, %mul3A_556 : i32
      %add3A_558 = arith.constant 1 : i32
      %add3A_559 = arith.addi %mul3A_557, %add3A_558 : i32
      %broadcast_in_dim3A_560 = vector.broadcast %add3A_559 : i32 to vector<16xi32>
      %gather3A_561 = tpu.vector_load_idx %arg13[%broadcast_in_dim3A_560] : memref<512xf32, #tpu.memory_space<vmem>>[vector<16xi32>], vector<16xf32>,
      %parallel_loop3A_562 = arith.constant 0 : i32
      %parallel_loop3A_563 = arith.constant 384 : i32
      %parallel_loop3A_564 = arith.constant 1 : i32
      scf.for %parallel_loop3A_648 = %parallel_loop3A_562 to %parallel_loop3A_563 step %parallel_loop3A_564  : i32 {
        %parallel_loop3A_649 = arith.constant 5 : i32
        %parallel_loop3A_650 = arith.shrui %parallel_loop3A_648, %parallel_loop3A_649 : i32
        %parallel_loop3A_651 = arith.constant 31 : i32
        %parallel_loop3A_652 = arith.andi %parallel_loop3A_648, %parallel_loop3A_651 : i32
        %parallel_loop3A_653 = arith.constant 16 : i32
        %parallel_loop3A_654 = arith.muli %parallel_loop3A_652, %parallel_loop3A_653 : i32
        %parallel_loop3A_655 = arith.index_cast %parallel_loop3A_650 : i32 to index
        %parallel_loop3A_656 = arith.index_cast %parallel_loop3A_654 : i32 to index
        %parallel_loop3A_657 = tpu.vector_load %arg16[%parallel_loop3A_655, %parallel_loop3A_656] {strides = array<i32>} : memref<12x512xf32, #tpu.memory_space<vmem>>, vector<16xf32>,
        %parallel_loop3A_658 = arith.mulf %parallel_loop3A_657, %gather3A_561 : vector<16xf32>
        %parallel_loop3A_659 = arith.constant 13 : i32
        %parallel_loop3A_660 = arith.addi %parallel_loop3A_659, %parallel_loop3A_650 : i32
        %parallel_loop3A_661 = arith.index_cast %parallel_loop3A_660 : i32 to index
        %parallel_loop3A_662 = arith.index_cast %parallel_loop3A_654 : i32 to index
        %parallel_loop3A_663 = tpu.vector_load %arg23[%parallel_loop3A_661, %parallel_loop3A_662] {strides = array<i32>} : memref<48x512xf32, #tpu.memory_space<vmem>>, vector<16xf32>,
        tpu.vector_store %arg23[%parallel_loop3A_661, %parallel_loop3A_662], %parallel_loop3A_658 {strides = array<i32>} : memref<48x512xf32, #tpu.memory_space<vmem>>, vector<16xf32>,
      } {sc.loop_unroll_factor = 8 : i64, sc.parallel_access}
      %mul3A_565 = arith.constant 4 : i32
      %mul3A_566 = arith.muli %scan3A_58, %mul3A_565 : i32
      %add3A_567 = arith.constant 2 : i32
      %add3A_568 = arith.addi %mul3A_566, %add3A_567 : i32
      %broadcast_in_dim3A_569 = vector.broadcast %add3A_568 : i32 to vector<16xi32>
      %gather3A_570 = tpu.vector_load_idx %arg13[%broadcast_in_dim3A_569] : memref<512xf32, #tpu.memory_space<vmem>>[vector<16xi32>], vector<16xf32>,
      %parallel_loop3A_571 = arith.constant 0 : i32
      %parallel_loop3A_572 = arith.constant 384 : i32
      %parallel_loop3A_573 = arith.constant 1 : i32
      scf.for %parallel_loop3A_648 = %parallel_loop3A_571 to %parallel_loop3A_572 step %parallel_loop3A_573  : i32 {
        %parallel_loop3A_649 = arith.constant 5 : i32
        %parallel_loop3A_650 = arith.shrui %parallel_loop3A_648, %parallel_loop3A_649 : i32
        %parallel_loop3A_651 = arith.constant 31 : i32
        %parallel_loop3A_652 = arith.andi %parallel_loop3A_648, %parallel_loop3A_651 : i32
        %parallel_loop3A_653 = arith.constant 16 : i32
        %parallel_loop3A_654 = arith.muli %parallel_loop3A_652, %parallel_loop3A_653 : i32
        %parallel_loop3A_655 = arith.index_cast %parallel_loop3A_650 : i32 to index
        %parallel_loop3A_656 = arith.index_cast %parallel_loop3A_654 : i32 to index
        %parallel_loop3A_657 = tpu.vector_load %arg17[%parallel_loop3A_655, %parallel_loop3A_656] {strides = array<i32>} : memref<12x512xf32, #tpu.memory_space<vmem>>, vector<16xf32>,
        %parallel_loop3A_658 = arith.mulf %parallel_loop3A_657, %gather3A_570 : vector<16xf32>
        %parallel_loop3A_659 = arith.constant 25 : i32
        %parallel_loop3A_660 = arith.addi %parallel_loop3A_659, %parallel_loop3A_650 : i32
        %parallel_loop3A_661 = arith.index_cast %parallel_loop3A_660 : i32 to index
        %parallel_loop3A_662 = arith.index_cast %parallel_loop3A_654 : i32 to index
        %parallel_loop3A_663 = tpu.vector_load %arg23[%parallel_loop3A_661, %parallel_loop3A_662] {strides = array<i32>} : memref<48x512xf32, #tpu.memory_space<vmem>>, vector<16xf32>,
        tpu.vector_store %arg23[%parallel_loop3A_661, %parallel_loop3A_662], %parallel_loop3A_658 {strides = array<i32>} : memref<48x512xf32, #tpu.memory_space<vmem>>, vector<16xf32>,
      } {sc.loop_unroll_factor = 8 : i64, sc.parallel_access}
      %mul3A_574 = arith.constant 4 : i32
      %mul3A_575 = arith.muli %scan3A_58, %mul3A_574 : i32
      %add3A_576 = arith.constant 3 : i32
      %add3A_577 = arith.addi %mul3A_575, %add3A_576 : i32
      %broadcast_in_dim3A_578 = vector.broadcast %add3A_577 : i32 to vector<16xi32>
      %gather3A_579 = tpu.vector_load_idx %arg13[%broadcast_in_dim3A_578] : memref<512xf32, #tpu.memory_space<vmem>>[vector<16xi32>], vector<16xf32>,
      %parallel_loop3A_580 = arith.constant 0 : i32
      %parallel_loop3A_581 = arith.constant 352 : i32
      %parallel_loop3A_582 = arith.constant 1 : i32
      scf.for %parallel_loop3A_648 = %parallel_loop3A_580 to %parallel_loop3A_581 step %parallel_loop3A_582  : i32 {
        %parallel_loop3A_649 = arith.constant 5 : i32
        %parallel_loop3A_650 = arith.shrui %parallel_loop3A_648, %parallel_loop3A_649 : i32
        %parallel_loop3A_651 = arith.constant 31 : i32
        %parallel_loop3A_652 = arith.andi %parallel_loop3A_648, %parallel_loop3A_651 : i32
        %parallel_loop3A_653 = arith.constant 16 : i32
        %parallel_loop3A_654 = arith.muli %parallel_loop3A_652, %parallel_loop3A_653 : i32
        %parallel_loop3A_655 = arith.index_cast %parallel_loop3A_650 : i32 to index
        %parallel_loop3A_656 = arith.index_cast %parallel_loop3A_654 : i32 to index
        %parallel_loop3A_657 = tpu.vector_load %arg18[%parallel_loop3A_655, %parallel_loop3A_656] {strides = array<i32>} : memref<12x512xf32, #tpu.memory_space<vmem>>, vector<16xf32>,
        %parallel_loop3A_658 = arith.mulf %parallel_loop3A_657, %gather3A_579 : vector<16xf32>
        %parallel_loop3A_659 = arith.constant 37 : i32
        %parallel_loop3A_660 = arith.addi %parallel_loop3A_659, %parallel_loop3A_650 : i32
        %parallel_loop3A_661 = arith.index_cast %parallel_loop3A_660 : i32 to index
        %parallel_loop3A_662 = arith.index_cast %parallel_loop3A_654 : i32 to index
        %parallel_loop3A_663 = tpu.vector_load %arg23[%parallel_loop3A_661, %parallel_loop3A_662] {strides = array<i32>} : memref<48x512xf32, #tpu.memory_space<vmem>>, vector<16xf32>,
        tpu.vector_store %arg23[%parallel_loop3A_661, %parallel_loop3A_662], %parallel_loop3A_658 {strides = array<i32>} : memref<48x512xf32, #tpu.memory_space<vmem>>, vector<16xf32>,
      } {sc.loop_unroll_factor = 8 : i64, sc.parallel_access}
      %parallel_loop3A_583 = arith.constant 0 : i32
      %parallel_loop3A_584 = arith.constant 32 : i32
      %parallel_loop3A_585 = arith.constant 1 : i32
      scf.for %parallel_loop3A_648 = %parallel_loop3A_583 to %parallel_loop3A_584 step %parallel_loop3A_585  : i32 {
        %parallel_loop3A_649 = arith.constant 16 : i32
        %parallel_loop3A_650 = arith.muli %parallel_loop3A_648, %parallel_loop3A_649 : i32
        %parallel_loop3A_651 = arith.constant 11 : i32
        %parallel_loop3A_652 = arith.index_cast %parallel_loop3A_651 : i32 to index
        %parallel_loop3A_653 = arith.index_cast %parallel_loop3A_650 : i32 to index
        %parallel_loop3A_654 = tpu.vector_load %arg18[%parallel_loop3A_652, %parallel_loop3A_653] {strides = array<i32>} : memref<12x512xf32, #tpu.memory_space<vmem>>, vector<16xf32>,
        %parallel_loop3A_655 = arith.mulf %parallel_loop3A_654, %gather3A_579 : vector<16xf32>
        %parallel_loop3A_656 = arith.constant 0 : i32
        %parallel_loop3A_657 = arith.index_cast %parallel_loop3A_656 : i32 to index
        %parallel_loop3A_658 = arith.index_cast %parallel_loop3A_650 : i32 to index
        %parallel_loop3A_659 = tpu.vector_load %arg24[%parallel_loop3A_657, %parallel_loop3A_658] {strides = array<i32>} : memref<29x512xf32, #tpu.memory_space<vmem>>, vector<16xf32>,
        tpu.vector_store %arg24[%parallel_loop3A_657, %parallel_loop3A_658], %parallel_loop3A_655 {strides = array<i32>} : memref<29x512xf32, #tpu.memory_space<vmem>>, vector<16xf32>,
      } {sc.loop_unroll_factor = 8 : i64, sc.parallel_access}
      %parallel_loop3A_586 = arith.constant 0 : i32
      %parallel_loop3A_587 = arith.constant 896 : i32
      %parallel_loop3A_588 = arith.constant 1 : i32
      scf.for %parallel_loop3A_648 = %parallel_loop3A_586 to %parallel_loop3A_587 step %parallel_loop3A_588  : i32 {
        %parallel_loop3A_649 = arith.constant 5 : i32
        %parallel_loop3A_650 = arith.shrui %parallel_loop3A_648, %parallel_loop3A_649 : i32
        %parallel_loop3A_651 = arith.constant 31 : i32
        %parallel_loop3A_652 = arith.andi %parallel_loop3A_648, %parallel_loop3A_651 : i32
        %parallel_loop3A_653 = arith.constant 16 : i32
        %parallel_loop3A_654 = arith.muli %parallel_loop3A_652, %parallel_loop3A_653 : i32
        %parallel_loop3A_655 = arith.index_cast %parallel_loop3A_650 : i32 to index
        %parallel_loop3A_656 = arith.index_cast %parallel_loop3A_654 : i32 to index
        %parallel_loop3A_657 = tpu.vector_load %arg19[%parallel_loop3A_655, %parallel_loop3A_656] {strides = array<i32>} : memref<28x512xf32, #tpu.memory_space<vmem>>, vector<16xf32>,
        %parallel_loop3A_658 = arith.constant 1 : i32
        %parallel_loop3A_659 = arith.addi %parallel_loop3A_658, %parallel_loop3A_650 : i32
        %parallel_loop3A_660 = arith.index_cast %parallel_loop3A_659 : i32 to index
        %parallel_loop3A_661 = arith.index_cast %parallel_loop3A_654 : i32 to index
        %parallel_loop3A_662 = tpu.vector_load %arg24[%parallel_loop3A_660, %parallel_loop3A_661] {strides = array<i32>} : memref<29x512xf32, #tpu.memory_space<vmem>>, vector<16xf32>,
        tpu.vector_store %arg24[%parallel_loop3A_660, %parallel_loop3A_661], %parallel_loop3A_657 {strides = array<i32>} : memref<29x512xf32, #tpu.memory_space<vmem>>, vector<16xf32>,
      } {sc.loop_unroll_factor = 8 : i64, sc.parallel_access}
      %add3A_589 = arith.addi %mul3A_2, %scan3A_58 : i32
      %dma_start3A_590 = arith.constant 0 : i32
      %dma_start3A_591 = arith.constant 0 : i32
      %dma_start3A_592 = tpu.memref_slice %arg9[%add3A_589, %dma_start3A_590, %dma_start3A_591] : memref<4096x77x512xf32, #tpu.memory_space<hbm>> -> memref<1x77x512xf32, #tpu.memory_space<hbm>>
      %dma_start3A_593 = tpu.memref_squeeze %dma_start3A_592 : memref<1x77x512xf32, #tpu.memory_space<hbm>> -> memref<77x512xf32, #tpu.memory_space<hbm>>
      %dma_start3A_594 = arith.constant 0 : i32
      %dma_start3A_595 = arith.constant 0 : i32
      %dma_start3A_596 = tpu.memref_slice %dma_start3A_593[%dma_start3A_594, %dma_start3A_595] : memref<77x512xf32, #tpu.memory_space<hbm>> -> memref<48x512xf32, #tpu.memory_space<hbm>>
      %dma_start3A_597 = arith.constant 0 : i32
      %dma_start3A_598 = arith.constant 0 : i32
      %dma_start3A_599 = tpu.memref_slice %arg9[%add3A_589, %dma_start3A_597, %dma_start3A_598] : memref<4096x77x512xf32, #tpu.memory_space<hbm>> -> memref<1x77x512xf32, #tpu.memory_space<hbm>>
      %dma_start3A_600 = tpu.memref_squeeze %dma_start3A_599 : memref<1x77x512xf32, #tpu.memory_space<hbm>> -> memref<77x512xf32, #tpu.memory_space<hbm>>
      %dma_start3A_601 = arith.constant 0 : i32
      %dma_start3A_602 = arith.constant 0 : i32
      %dma_start3A_603 = tpu.memref_slice %dma_start3A_600[%dma_start3A_601, %dma_start3A_602] : memref<77x512xf32, #tpu.memory_space<hbm>> -> memref<48x512xf32, #tpu.memory_space<hbm>>
      tpu.enqueue_dma source(%arg23 : memref<48x512xf32, #tpu.memory_space<vmem>>) target(%dma_start3A_603 : memref<48x512xf32, #tpu.memory_space<hbm>>) target_semaphore(%arg28 : memref<!tpu.dma_semaphore, #tpu.memory_space<semaphore_mem>>)
      %dma_start3A_604 = arith.constant 0 : i32
      %dma_start3A_605 = arith.constant 0 : i32
      %dma_start3A_606 = tpu.memref_slice %arg9[%add3A_589, %dma_start3A_604, %dma_start3A_605] : memref<4096x77x512xf32, #tpu.memory_space<hbm>> -> memref<1x77x512xf32, #tpu.memory_space<hbm>>
      %dma_start3A_607 = tpu.memref_squeeze %dma_start3A_606 : memref<1x77x512xf32, #tpu.memory_space<hbm>> -> memref<77x512xf32, #tpu.memory_space<hbm>>
      %dma_start3A_608 = arith.constant 48 : i32
      %dma_start3A_609 = arith.constant 0 : i32
      %dma_start3A_610 = tpu.memref_slice %dma_start3A_607[%dma_start3A_608, %dma_start3A_609] : memref<77x512xf32, #tpu.memory_space<hbm>> -> memref<29x512xf32, #tpu.memory_space<hbm>>
      %dma_start3A_611 = arith.constant 0 : i32
      %dma_start3A_612 = arith.constant 0 : i32
      %dma_start3A_613 = tpu.memref_slice %arg9[%add3A_589, %dma_start3A_611, %dma_start3A_612] : memref<4096x77x512xf32, #tpu.memory_space<hbm>> -> memref<1x77x512xf32, #tpu.memory_space<hbm>>
      %dma_start3A_614 = tpu.memref_squeeze %dma_start3A_613 : memref<1x77x512xf32, #tpu.memory_space<hbm>> -> memref<77x512xf32, #tpu.memory_space<hbm>>
      %dma_start3A_615 = arith.constant 48 : i32
      %dma_start3A_616 = arith.constant 0 : i32
      %dma_start3A_617 = tpu.memref_slice %dma_start3A_614[%dma_start3A_615, %dma_start3A_616] : memref<77x512xf32, #tpu.memory_space<hbm>> -> memref<29x512xf32, #tpu.memory_space<hbm>>
      tpu.enqueue_dma source(%arg24 : memref<29x512xf32, #tpu.memory_space<vmem>>) target(%dma_start3A_617 : memref<29x512xf32, #tpu.memory_space<hbm>>) target_semaphore(%arg28 : memref<!tpu.dma_semaphore, #tpu.memory_space<semaphore_mem>>)
      %dma_wait3A_618 = arith.constant 0 : i32
      %dma_wait3A_619 = arith.constant 0 : i32
      %dma_wait3A_620 = arith.constant 0 : i32
      %dma_wait3A_621 = tpu.memref_slice %arg9[%dma_wait3A_618, %dma_wait3A_619, %dma_wait3A_620] : memref<4096x77x512xf32, #tpu.memory_space<hbm>> -> memref<1x77x512xf32, #tpu.memory_space<hbm>>
      %dma_wait3A_622 = tpu.memref_squeeze %dma_wait3A_621 : memref<1x77x512xf32, #tpu.memory_space<hbm>> -> memref<77x512xf32, #tpu.memory_space<hbm>>
      %dma_wait3A_623 = arith.constant 0 : i32
      %dma_wait3A_624 = arith.constant 0 : i32
      %dma_wait3A_625 = tpu.memref_slice %dma_wait3A_622[%dma_wait3A_623, %dma_wait3A_624] : memref<77x512xf32, #tpu.memory_space<hbm>> -> memref<48x512xf32, #tpu.memory_space<hbm>>
      %dma_wait3A_626 = arith.constant 0 : i32
      %dma_wait3A_627 = arith.constant 0 : i32
      %dma_wait3A_628 = tpu.memref_slice %arg9[%dma_wait3A_618, %dma_wait3A_626, %dma_wait3A_627] : memref<4096x77x512xf32, #tpu.memory_space<hbm>> -> memref<1x77x512xf32, #tpu.memory_space<hbm>>
      %dma_wait3A_629 = tpu.memref_squeeze %dma_wait3A_628 : memref<1x77x512xf32, #tpu.memory_space<hbm>> -> memref<77x512xf32, #tpu.memory_space<hbm>>
      %dma_wait3A_630 = arith.constant 0 : i32
      %dma_wait3A_631 = arith.constant 0 : i32
      %dma_wait3A_632 = tpu.memref_slice %dma_wait3A_629[%dma_wait3A_630, %dma_wait3A_631] : memref<77x512xf32, #tpu.memory_space<hbm>> -> memref<48x512xf32, #tpu.memory_space<hbm>>
      tpu.wait_dma2 semaphore(%arg28 : memref<!tpu.dma_semaphore, #tpu.memory_space<semaphore_mem>>) src(%dma_wait3A_632 : memref<48x512xf32, #tpu.memory_space<hbm>>) dst(%arg23 : memref<48x512xf32, #tpu.memory_space<vmem>>)
      %dma_wait3A_633 = arith.constant 0 : i32
      %dma_wait3A_634 = arith.constant 0 : i32
      %dma_wait3A_635 = arith.constant 0 : i32
      %dma_wait3A_636 = tpu.memref_slice %arg9[%dma_wait3A_633, %dma_wait3A_634, %dma_wait3A_635] : memref<4096x77x512xf32, #tpu.memory_space<hbm>> -> memref<1x77x512xf32, #tpu.memory_space<hbm>>
      %dma_wait3A_637 = tpu.memref_squeeze %dma_wait3A_636 : memref<1x77x512xf32, #tpu.memory_space<hbm>> -> memref<77x512xf32, #tpu.memory_space<hbm>>
      %dma_wait3A_638 = arith.constant 48 : i32
      %dma_wait3A_639 = arith.constant 0 : i32
      %dma_wait3A_640 = tpu.memref_slice %dma_wait3A_637[%dma_wait3A_638, %dma_wait3A_639] : memref<77x512xf32, #tpu.memory_space<hbm>> -> memref<29x512xf32, #tpu.memory_space<hbm>>
      %dma_wait3A_641 = arith.constant 0 : i32
      %dma_wait3A_642 = arith.constant 0 : i32
      %dma_wait3A_643 = tpu.memref_slice %arg9[%dma_wait3A_633, %dma_wait3A_641, %dma_wait3A_642] : memref<4096x77x512xf32, #tpu.memory_space<hbm>> -> memref<1x77x512xf32, #tpu.memory_space<hbm>>
      %dma_wait3A_644 = tpu.memref_squeeze %dma_wait3A_643 : memref<1x77x512xf32, #tpu.memory_space<hbm>> -> memref<77x512xf32, #tpu.memory_space<hbm>>
      %dma_wait3A_645 = arith.constant 48 : i32
      %dma_wait3A_646 = arith.constant 0 : i32
      %dma_wait3A_647 = tpu.memref_slice %dma_wait3A_644[%dma_wait3A_645, %dma_wait3A_646] : memref<77x512xf32, #tpu.memory_space<hbm>> -> memref<29x512xf32, #tpu.memory_space<hbm>>
      tpu.wait_dma2 semaphore(%arg28 : memref<!tpu.dma_semaphore, #tpu.memory_space<semaphore_mem>>) src(%dma_wait3A_647 : memref<29x512xf32, #tpu.memory_space<hbm>>) dst(%arg24 : memref<29x512xf32, #tpu.memory_space<vmem>>)
    }
    %scan3A_57 = arith.constant 128 : i32
    return
  }
}

</mosaic_0001>

<sc_bundles>
// kernel: kernel.3.cloned.1.call-start
scs
__scs_entry_jumppad:
0x0: {  	(pc) =	sbr.rel $0x88, $3  }
0x1: {  	(tag) =	ssettag $0x0;
	lr =	simm.s32 $0x1  }
0x2: {  	[smem:$0x3F9A] =	sst lr;
	_ =	strace $0xD0000000  }
0x3: {  	_ = 	snop  }
0x4: {  	_ = 	snop  }
0x5: {  	_ = 	snop  }
0x6: {  	_ = 	snop  }
0x7: {  	_ = 	snop  }
__scs_overlays_trampoline_lowered:
0x8: {  	[smem:$0x3FA9] =	sst s0  }
0x9: {  	[smem:$0x3FAA] =	sst s1  }
0xa: {  	[smem:$0x3FAB] =	sst s2  }
0xb: {  	[smem:$0x3FAC] =	sst s3  }
0xc: {  	[smem:$0x3FAD] =	sst s4  }
0xd: {  	[smem:$0x3FAE] =	sst s5  }
0xe: {  	[smem:$0x3FAF] =	sst s6  }
0xf: {  	[smem:$0x3FB0] =	sst s7  }
0x10: {  	[smem:$0x3FB1] =	sst s8  }
0x11: {  	[smem:$0x3FB2] =	sst s9;
	s0 =	simm.s32 @!p0 $0x0  }
0x12: {  	s1 =	sld [smem:$0x3F98];
	s0 =	simm.s32 @p0 $0x1  }
0x13: {  	[smem:$0x3FB3] =	sst s0;
	s0 =	simm.s32 @!p1 $0x0  }
0x14: {  	s2 =	sld [smem:$0x3F97];
	s0 =	simm.s32 @p1 $0x1  }
0x15: {  	[smem:$0x3FB4] =	sst s0;
	s0 =	simm.s32 @!p2 $0x0  }
0x16: {  	s3 =	sld [smem:$0x3FDB];
	s0 =	simm.s32 @p2 $0x1  }
0x17: {  	s4 =	simm.s32 $0x1BF5;
	[smem:$0x3FB6] =	sst s0  }
0x18: {  	s0 =	sld [smem:$0x3F99];
	_ =	swait.ge [sflag:s4], $0x0  }
0x19: {  	s7 =	sld [smem:$0x3F9A]  }
0x1a: {  	s8 =	sadd.s32 $0xFFFFE003, lr  }
0x1b: {  	s9 =	sadd.s32 $0xFFFFFEF7, lr;
	s5 =	simm.s32 $0xFFFFFFFF;
	p2 =	slt.u32 s8, $0xFFFFF086  }
0x1c: {  	p1 =	slt.u32 s9, $0xF7A;
	s5 =	simm.s32 @!p2 $0x0  }
0x1d: {  	s5 =	simm.s32 @p1 $0x1;
	p0 =	seq.s32 s7, s2  }
0x1e: {  	s7 =	smul.u32 @!p0 $0xF7A, s2;
	p2 =	seq.s32 @!p0 s5, $0x0  }
0x1f: {  	s9 =	smul.u32 $0xF7A, s1;
	s8 =	simm.s32 @!p0 $0x1BF5;
	p2 =	por !p2, p0  }
0x20: {  	[sflag:s8] =	ssyncset.s32 @!p0 $0xFFFFF086;
	s6 =	sadd.s32 @!p0 s3, s7;
	s7 =	simm.s32 @!p0 $0x108  }
0x21: {  	s3 =	sadd.s32 s3, s9;
	s6 =	sadd.s32 @!p0 $0x88, s6;
	s7 =	simm.s32 @p2 $0x1082  }
0x22: {  	[simem:s7], [sflag:s8] =	dma.local @!p0 [hbm:s6], $0xF7A  }
0x23: {  	s9 =	sor.u32 $0xD0000000, s2;
	s6 =	simm.s32 $0x108;
	_ =	swait.ge @!p0 [sflag:s8], $0x0  }
0x24: {  	s3 =	sadd.s32 $0x88, s3;
	s6 =	simm.s32 @!p1 $0x1082;
	[sflag:s4] =	ssyncset.s32 $0xFFFFF086  }
0x25: {  	[simem:s6], [sflag:s4] =	dma.local [hbm:s3], $0xF7A  }
0x26: {  	[smem:$0x3F9A] =	sst s1;
	(tag) =	ssettag s2;
	_ =	strace s9  }
0x27: {  	s1 =	sld [smem:$0x3FAA]  }
0x28: {  	s2 =	sld [smem:$0x3FAB]  }
0x29: {  	s4 =	sld [smem:$0x3FAD]  }
0x2a: {  	p0 =	seq.s32 s5, $0x0;
	s5 =	sld [smem:$0x3FAE]  }
0x2b: {  	s6 =	sld [smem:$0x3FAF]  }
0x2c: {  	s7 =	sld [smem:$0x3FB0]  }
0x2d: {  	s3 =	simm.s32 $0x108;
	s8 =	sld [smem:$0x3FB1]  }
0x2e: {  	s3 =	simm.s32 @!p0 $0x1082;
	s9 =	sld [smem:$0x3FB2]  }
0x2f: {  	lr =	sadd.s32 s0, s3;
	s0 =	sld [smem:$0x3FA9]  }
0x30: {  	s3 =	sld [smem:$0x3FAC]  }
0x31: {  	[smem:$0x3FB5] =	sst s10  }
0x32: {  	s10 =	sld [smem:$0x3FB3];
	_ =	sdelay $0x3  }
0x33: {  	p0 =	seq.s32 s10, $0x1;
	s10 =	sld [smem:$0x3FB5];
	_ =	sdelay $0x3  }
0x34: {  	[smem:$0x3FB5] =	sst s10  }
0x35: {  	s10 =	sld [smem:$0x3FB4];
	_ =	sdelay $0x3  }
0x36: {  	p1 =	seq.s32 s10, $0x1;
	s10 =	sld [smem:$0x3FB5];
	_ =	sdelay $0x3  }
0x37: {  	[smem:$0x3FB5] =	sst s10  }
0x38: {  	s10 =	sld [smem:$0x3FB6]  }
0x39: {  	_ = 	snop;
	(pc) =	sbr.ind lr, $3  }
0x3a: {  	_ = 	snop  }
0x3b: {  	_ = 	snop  }
0x3c: {  	p2 =	seq.s32 s10, $0x1;
	s10 =	sld [smem:$0x3FB5]  }
0x3d: {  	_ =	shalt  }
0x3e: {  	_ =	shalt  }
0x3f: {  	_ =	shalt  }
0x40: {  	_ =	shalt  }
0x41: {  	_ =	shalt  }
0x42: {  	_ =	shalt  }
0x43: {  	_ =	shalt  }
0x44: {  	_ =	shalt  }
0x45: {  	_ =	shalt  }
0x46: {  	_ =	shalt  }
0x47: {  	_ =	shalt  }
0x48: {  	_ =	shalt  }
0x49: {  	_ =	shalt  }
0x4a: {  	_ =	shalt  }
0x4b: {  	_ =	shalt  }
0x4c: {  	_ =	shalt  }
0x4d: {  	_ =	shalt  }
0x4e: {  	_ =	shalt  }
0x4f: {  	_ =	shalt  }
0x50: {  	_ =	shalt  }
0x51: {  	_ =	shalt  }
0x52: {  	_ =	shalt  }
0x53: {  	_ =	shalt  }
0x54: {  	_ =	shalt  }
0x55: {  	_ =	shalt  }
0x56: {  	_ =	shalt  }
0x57: {  	_ =	shalt  }
0x58: {  	_ =	shalt  }
0x59: {  	_ =	shalt  }
0x5a: {  	_ =	shalt  }
0x5b: {  	_ =	shalt  }
0x5c: {  	_ =	shalt  }
0x5d: {  	_ =	shalt  }
0x5e: {  	_ =	shalt  }
0x5f: {  	_ =	shalt  }
0x60: {  	_ =	shalt  }
0x61: {  	_ =	shalt  }
0x62: {  	_ =	shalt  }
0x63: {  	_ =	shalt  }
0x64: {  	_ =	shalt  }
0x65: {  	_ =	shalt  }
0x66: {  	_ =	shalt  }
0x67: {  	_ =	shalt  }
0x68: {  	_ =	shalt  }
0x69: {  	_ =	shalt  }
0x6a: {  	_ =	shalt  }
0x6b: {  	_ =	shalt  }
0x6c: {  	_ =	shalt  }
0x6d: {  	_ =	shalt  }
0x6e: {  	_ =	shalt  }
0x6f: {  	_ =	shalt  }
0x70: {  	_ =	shalt  }
0x71: {  	_ =	shalt  }
0x72: {  	_ =	shalt  }
0x73: {  	_ =	shalt  }
0x74: {  	_ =	shalt  }
0x75: {  	_ =	shalt  }
0x76: {  	_ =	shalt  }
0x77: {  	_ =	shalt  }
0x78: {  	_ =	shalt  }
0x79: {  	_ =	shalt  }
0x7a: {  	_ =	shalt  }
0x7b: {  	_ =	shalt  }
0x7c: {  	_ =	shalt  }
0x7d: {  	_ =	shalt  }
0x7e: {  	_ =	shalt  }
0x7f: {  	_ =	shalt  }
0x80: {  	_ =	shalt  }
0x81: {  	_ =	shalt  }
0x82: {  	_ =	shalt  }
0x83: {  	_ =	shalt  }
0x84: {  	_ =	shalt  }
0x85: {  	_ =	shalt  }
0x86: {  	_ =	shalt  }
0x87: {  	_ =	shalt  }
.Lfunc_end0:
.L_simem_size_0:
called_computation_lowered:
.L_overlay_start_0:
0x88: {  	s2 =	sld [smem:$0x3FD9]  }
0x89: {  	s3 =	sld [smem:$0x3FFE];
	_ =	sdelay $0x1  }
0x8a: {  	s1 =	srdreg.scid  }
0x8b: {  	s0 =	sand.u32 $0x1, s1  }
0x8c: {  	s14 =	sshll.u32 s0, $0xA;
	s2 =	sadd.s32 s3, s2  }
0x8d: {  	s2 =	sadd.s32 s2, s14  }
0x8e: {  	[smem:$0x3FC1] =	sst s2  }
0x8f: {  	_ = 	snop  }
0x90: {  	s2 =	sld [smem:$0x3FD0];
	_ =	sdelay $0x1  }
0x91: {  	s15 =	sld [smem:$0x3FC7]  }
0x92: {  	s5 =	simm.s32 $0xA;
	s6 =	simm.s32 $0x10;
	s4 =	sld [smem:$0x3FC5]  }
0x93: {  	[smem:s6], [sflag:s5] =	dma.local [hbm:s2], $0x1  }
0x94: {  	_ =	swait.eq [sflag:s5], $0x1  }
0x95: {  	[sflag:s5] =	ssyncset.done $0x0  }
0x96: {  	s16 =	sld [smem:$0x10];
	[sflag:s5] =	ssyncadd.s32 $0xFFFFFFFF  }
0x97: {  	s17 =	sld [smem:$0x11];
	(tm) =	ssettm $0x1  }
0x98: {  	s18 =	sld [smem:$0x3FFB];
	_ =	sdelay $0x3  }
0x99: {  	_ =	strace s18  }
0x9a: {  	s6 =	sld [smem:$0x3FFC];
	_ =	sdelay $0x3  }
0x9b: {  	_ =	strace s6  }
0x9c: {  	s6 =	sld [smem:$0x3FFD];
	_ =	sdelay $0x3  }
0x9d: {  	_ =	strace s6  }
0x9e: {  	_ =	strace $0x8FFFFFFF  }
0x9f: {  	s19 =	sld [smem:$0x3FDB];
	_ =	sdelay $0x1  }
0xa0: {  	s7 =	simm.s32 $_scs_section_size  }
0xa1: {  	s8 =	simm.s32 $_size__tile_overlayer_lowered;
	s9 =	simm.s32 $_tile_overlayer_lowered  }
0xa2: {  	s22 =	simm.s32 $0x1BFF;
	s21 =	sshll.u32 s9, $0x1;
	s6 =	sadd.s32 s7, s19  }
0xa3: {  	s10 =	simm.s32 $0x0;
	s20 =	sshll.u32 s8, $0x1;
	s8 =	sadd.s32 s21, s6  }
0xa4: {  	[timem:s10], [sflag:s22] =	dma.local [hbm:s8], s20  }
0xa5: {  	_ =	swait.ge [sflag:s22], s20  }
0xa6: {  	s7 =	ssub.s32 $0x0, s20;
	[sflag:s22] =	ssyncset.done $0x0  }
0xa7: {  	[sflag:s22] =	ssyncadd.s32 s7;
	_ =	sdelay $0x1  }
0xa8: {  	s23 =	simm.s32 $0x1B8B  }
0xa9: {  	_ =	swait.ge [sflag:s23], $0x1  }
0xaa: {  	[sflag:s23] =	ssyncset.done $0x0  }
0xab: {  	s25 =	simm.s32 $0x1B8E;
	s24 =	sld [smem:$0x3FFE];
	[sflag:s23] =	ssyncadd.s32 $0xFFFFFFFF  }
0xac: {  	s26 =	simm.s32 $execute0_lowered;
	[smem:$0x3FD2] =	sst s25  }
0xad: {  	s8 =	sshll.u32 s26, $0x1;
	_ =	strace $0x80000046;
	[dreg:$0x1] =	wrdreg $0xFFFFFFFF  }
0xae: {  	s28 =	simm.s32 $_size_execute0_lowered;
	s6 =	sadd.s32 s6, s8;
	[dreg:$0x0] =	wrdreg $0x0  }
0xaf: {  	s8 =	sshll.u32 s28, $0x1;
	[dreg:$0x2] =	wrdreg s6  }
0xb0: {  	[dreg:$0x3] =	wrdreg s8  }
0xb1: {  	[dreg:$0x4] =	wrdreg $0xC0  }
0xb2: {  	_ =	task [dreg:s10], $0x5FFFF  }
0xb3: {  	[dreg:$0x1] =	wrdreg $0xFFFFFFFF  }
0xb4: {  	[dreg:$0x0] =	wrdreg $0x60  }
0xb5: {  	[dreg:$0x2] =	wrdreg s24  }
0xb6: {  	[dreg:$0x3] =	wrdreg s15  }
0xb7: {  	[dreg:$0x4] =	wrdreg s16  }
0xb8: {  	[dreg:$0x5] =	wrdreg s4  }
0xb9: {  	[dreg:$0x6] =	wrdreg s17  }
0xba: {  	[dreg:$0x7] =	wrdreg $0x9  }
0xbb: {  	_ =	task.clear_ibuf [dreg:s10], $0x8FFFF;
	_ =	strace $0x90000046  }
0xbc: {  	s29 =	simm.s32 $0x9;
	_ =	strace $0x80000048  }
0xbd: {  	_ =	swait.ge [sflag:s29], $0x1  }
0xbe: {  	[sflag:s29] =	ssyncadd.s32 $0xFFFFFFFF  }
0xbf: {  	_ =	strace $0x90000048  }
0xc0: {  	_ =	sfence  }
0xc1: {  	s30 =	sld [smem:$0x0];
	_ =	sdelay $0x2  }
0xc2: {  	s31 =	sshll.u32 s1, $0xD;
	s1 =	sshrl.u32 s1, $0x2  }
0xc3: {  	s3 =	sand.u32 $0x4000, s31;
	s1 =	sadd.s32 s1, s30  }
0xc4: {  	s0 =	sor.u32 s3, s0;
	s1 =	sshll.u32 s1, $0x11  }
0xc5: {  	s0 =	sor.u32 s1, s0  }
0xc6: {  	s0 =	sadd.s32 $0x8F2B, s0  }
0xc7: {  	[sflag:s0] =	ssyncadd.remote.s32 $0x1  }
0xc8: {  	_ =	sfence.sel $0xFFFF  }
0xc9: {  	[dreg:$0x0] =	wrdreg $0xFFFFFFFF;
	(pc) =	sbr.abs _section_cstart, $3  }
0xca: {  	[dreg:$0x1] =	wrdreg $0xFFFFFFFF  }
0xcb: {  	_ =	task.clear_ibuf [dreg:s10], $0x2FFFF;
	_ =	strace $0x9FFFFFFF  }
0xcc: {  	(tm) =	ssettm $0x7FFFFFFF  }
0xcd: {  	_ =	shalt  }
tec
execute0_lowered:
.L_overlay_start_1:
0x0: {  	(tag) =	ssettag $0x1  }
0x1: {  	s0 =	rddreg [dreg:$0x0]  }
0x2: {  	s2 =	rddreg [dreg:$0x1]  }
0x3: {  	s1 =	rddreg [dreg:$0x2]  }
0x4: {  	s4 =	srdreg.scid;
	s3 =	stileid.u32;
	s5 =	simm.s32 $0x0  }
0x5: {  	s18 =	simm.s32 $0x80;
	s19 =	simm.s32 $0x280;
	s28 =	simm.s32 $0x5480  }
0x6: {  	s29 =	simm.s32 $0x7480;
	s4 =	sand.u32 $0x1, s4;
	s6 =	sshll.u32 s3, $0x1  }
0x7: {  	s30 =	simm.s32 $0xD480;
	[smem:$0x7FF] =	sst s5;
	s9 =	sor.u32 s4, s6  }
0x8: {  	s7 =	sadd.s32 $0x101C00, s0;
	s6 =	sshll.u32 s9, $0x6;
	s8 =	sshll.u32 s9, $0xB  }
0x9: {  	s10 =	sadd.s32 s6, s0;
	s6 =	sadd.s32 $0x1C00, s0;
	s0 =	sadd.s32 s8, s0  }
0xa: {  	s8 =	sshll.u32 s9, $0x7;
	s9 =	sshll.u32 s9, $0x4;
	s21 =	sadd.s32 $0xC00, s10  }
0xb: {  	_ =	strace $0x80000047;
	s2 =	sadd.s32 s2, s9;
	[dreg:$0x6] =	wrdreg s21  }
0xc: {  	s31 =	simm.s32 $0x9480;
	s22 =	sadd.s32 $0x1501C00, s0;
	[dreg:$0x7] =	wrdreg s2  }
0xd: {  	s4 =	ssub.s32 $0x2, s4;
	s23 =	sadd.s32 $0x1501E00, s0;
	[dreg:$0x8] =	wrdreg s22  }
0xe: {  	s11 =	sshrl.u32 s4, $0x1;
	s24 =	sadd.s32 $0x1400, s10;
	[dreg:$0x9] =	wrdreg s23  }
0xf: {  	s4 =	ssub.s32 s4, s11;
	s25 =	sadd.s32 $0x1502000, s0;
	[dreg:$0xa] =	wrdreg s24  }
0x10: {  	s0 =	sadd.s32 $0x1502200, s0;
	s26 =	smax.u32 s4, $0x1;
	[dreg:$0xb] =	wrdreg s25  }
0x11: {  	s9 =	simm.s32 $0x3;
	s4 =	simm.s32 $0x0;
	[dreg:$0xc] =	wrdreg s0  }
0x12: {  	[dreg:$0xd] =	wrdreg s26;
	s26 =	simm.s32 $0x3480;
	s2 =	simm.s32 $0x1  }
0x13: {  	s0 =	simm.s32 $0x2;
	s23 =	simm.s32 $0xD680;
	s24 =	simm.s32 $0x13680  }
.LBB2_1:
0x14: {  	[dreg:$0xe] =	wrdreg s4  }
0x15: {  	s3 =	rddreg [dreg:$0x7];
	s10 =	simm.s32 $0x5  }
0x16: {  	[tilespmem:s5], [sflag:$0x5] =	stream.linear.gather [hbm4b:s3+s5], $0x80, $0x38;
	[tilespmem:$0x17680] =	vst v63  }
0x17: {  	_ =	swait.ge [sflag:s10], $0x80  }
0x18: {  	[sflag:s10] =	ssyncset.done $0x0  }
0x19: {  	s13 =	rddreg [dreg:$0x6];
	[sflag:s10] =	ssyncadd.s32 $0xFFFFFF80  }
0x1a: {  	[tilespmem:s18], [sflag:$0x5] =	stream.linear.gather [hbm4b:s13+s5], $0x200, $0x38;
	[tilespmem:$0x17680] =	vst v63  }
0x1b: {  	_ =	swait.ge [sflag:s10], $0x200  }
0x1c: {  	[sflag:s10] =	ssyncset.done $0x0  }
0x1d: {  	s14 =	rddreg [dreg:$0xa];
	[sflag:s10] =	ssyncadd.s32 $0xFFFFFE00  }
0x1e: {  	[tilespmem:s19], [sflag:$0x5] =	stream.linear.gather [hbm4b:s14+s5], $0x200, $0x38;
	[tilespmem:$0x17680] =	vst v63  }
0x1f: {  	_ =	swait.ge [sflag:s10], $0x200  }
0x20: {  	[sflag:s10] =	ssyncset.done $0x0  }
0x21: {  	s11 =	simm.s32 $0x20;
	[sflag:s10] =	ssyncadd.s32 $0xFFFFFE00  }
0x22: {  	s12 =	simm.s32 $0x480;
	s13 =	simm.s32 $0x4;
	s15 =	rddreg [dreg:$0x4]  }
0x23: {  	[tilespmem:s12], [sflag:$0x4] =	stream.indirect.gather [hbm4b:s15+s11], $0x80, s5, s11, $0xb8;
	[tilespmem:$0x17680] =	vst v63  }
0x24: {  	_ =	swait.ge [sflag:s13], $0x1000  }
0x25: {  	[sflag:s13] =	ssyncset.done $0x0  }
0x26: {  	s16 =	rddreg [dreg:$0x8];
	[sflag:s13] =	ssyncadd.s32 $0xFFFFF000  }
0x27: {  	[hbm4b:s16+s5] =	stream.linear.scatter [tilespmem:s12], [sflag:$0x5], $0x1000, $0x38;
	[tilespmem:$0x17680] =	vst v63  }
0x28: {  	_ =	swait.ge [sflag:s10], $0x1000  }
0x29: {  	[sflag:s10] =	ssyncset.done $0x0  }
0x2a: {  	[sflag:s10] =	ssyncadd.s32 $0xFFFFF000  }
0x2b: {  	[tilespmem:s12], [sflag:$0x4] =	stream.indirect.gather [hbm4b:s15+s11], $0x80, s11, s11, $0xb8;
	[tilespmem:$0x17680] =	vst v63  }
0x2c: {  	_ =	swait.ge [sflag:s13], $0x1000  }
0x2d: {  	[sflag:s13] =	ssyncset.done $0x0  }
0x2e: {  	s17 =	rddreg [dreg:$0x9];
	[sflag:s13] =	ssyncadd.s32 $0xFFFFF000  }
0x2f: {  	[hbm4b:s17+s5] =	stream.linear.scatter [tilespmem:s12], [sflag:$0x5], $0x1000, $0x38;
	[tilespmem:$0x17680] =	vst v63  }
0x30: {  	_ =	swait.ge [sflag:s10], $0x1000  }
0x31: {  	[sflag:s10] =	ssyncset.done $0x0  }
0x32: {  	s20 =	simm.s32 $0x40;
	[sflag:s10] =	ssyncadd.s32 $0xFFFFF000  }
0x33: {  	[tilespmem:s12], [sflag:$0x4] =	stream.indirect.gather [hbm4b:s15+s11], $0x80, s20, s11, $0xb8;
	[tilespmem:$0x17680] =	vst v63  }
0x34: {  	_ =	swait.ge [sflag:s13], $0x1000  }
0x35: {  	[sflag:s13] =	ssyncset.done $0x0  }
0x36: {  	s21 =	rddreg [dreg:$0xb];
	[sflag:s13] =	ssyncadd.s32 $0xFFFFF000  }
0x37: {  	[hbm4b:s21+s5] =	stream.linear.scatter [tilespmem:s12], [sflag:$0x5], $0x1000, $0x38;
	[tilespmem:$0x17680] =	vst v63  }
0x38: {  	_ =	swait.ge [sflag:s10], $0x1000  }
0x39: {  	[sflag:s10] =	ssyncset.done $0x0  }
0x3a: {  	s22 =	simm.s32 $0x60;
	[sflag:s10] =	ssyncadd.s32 $0xFFFFF000  }
0x3b: {  	[tilespmem:s12], [sflag:$0x4] =	stream.indirect.gather [hbm4b:s15+s11], $0x80, s22, s11, $0xb8;
	[tilespmem:$0x17680] =	vst v63  }
0x3c: {  	_ =	swait.ge [sflag:s13], $0x1000  }
0x3d: {  	[sflag:s13] =	ssyncset.done $0x0  }
0x3e: {  	s25 =	rddreg [dreg:$0xc];
	[sflag:s13] =	ssyncadd.s32 $0xFFFFF000  }
0x3f: {  	[hbm4b:s25+s5] =	stream.linear.scatter [tilespmem:s12], [sflag:$0x5], $0x1000, $0x38;
	[tilespmem:$0x17680] =	vst v63  }
0x40: {  	_ =	swait.ge [sflag:s10], $0x1000  }
0x41: {  	[sflag:s10] =	ssyncset.done $0x0  }
0x42: {  	s11 =	simm.s32 $0x0;
	[sflag:s10] =	ssyncadd.s32 $0xFFFFF000  }
.LBB2_2:
0x43: {  	s4 =	sshll.u32 s11, $0x2  }
0x44: {  	s12 =	sor.u32 $0x2, s4  }
0x45: {  	v0 =	vmov s12  }
0x46: {  	v4 =	vmov s11;
	v1 =	vbroadcast v0, $0x0  }
0x47: {  	s25 =	sshllo.u32 s11, $0x2;
	v0 =	vmov s4  }
0x48: {  	v3 =	vbroadcast v0, $0x0;
	v0 =	vmov s25;
	_ =	sdelay $0x1  }
0x49: {  	s12 =	simm.s32 $0x0;
	s4 =	sor.u32 $0x1, s4  }
0x4a: {  	v2 =	vmov s4;
	v5 =	vld.idx.msk [tilespmem:v4+s12+$0x0], $0xffff  }
0x4b: {  	v2 =	vbroadcast v2, $0x0;
	v6 =	vld.idx.msk [tilespmem:v1+s18+$0x0], $0xffff  }
0x4c: {  	v7 =	vld.idx.msk [tilespmem:v0+s18+$0x0], $0xffff  }
0x4d: {  	v8 =	vld.idx.msk [tilespmem:v3+s18+$0x0], $0xffff;
	_ =	sdelay $0x1  }
0x4e: {  	v5 =	vxor.u32 $0x80000000, v5  }
0x4f: {  	(xrf0) =	vmax.scan.msk.u32 $0xffff, v5;
	v5 =	vxor.u32 $0x80000000, v6  }
0x50: {  	v6 =	vld.idx.msk [tilespmem:v2+s18+$0x0], $0xffff;
	(xrf0) =	vmax.scan.msk.u32 $0xffff, v5;
	v5 =	vxor.u32 $0x80000000, v7  }
0x51: {  	(xrf0) =	vmax.scan.msk.u32 $0xffff, v5;
	v5 =	vxor.u32 $0x80000000, v8  }
0x52: {  	(xrf0) =	vmax.scan.msk.u32 $0xffff, v5;
	_ =	sdelay $0x2  }
0x53: {  	v5, _, _ =	vpop (xrf0);
	v6 =	vxor.u32 $0x80000000, v6  }
0x54: {  	(v2sf) =	vpush v5, $0xF;
	(xrf0) =	vmax.scan.msk.u32 $0xffff, v6;
	v7, _, _ =	vpop (xrf0)  }
0x55: {  	v5, _, _ =	vpop (xrf0);
	(v2sf) =	vpush v7, $0xF  }
0x56: {  	(v2sf) =	vpush v5, $0xF;
	v5, _, _ =	vpop (xrf0)  }
0x57: {  	(v2sf) =	vpush v5, $0xF;
	_ =	sdelay $0x2  }
0x58: {  	v5, _, _ =	vpop (xrf0)  }
0x59: {  	(v2sf) =	vpush v5, $0xF;
	_ =	sdelay $0x7  }
0x5a: {  	s3 =	spop (v2sf)  }
0x5b: {  	s13 =	spop (v2sf)  }
0x5c: {  	s14 =	spop (v2sf)  }
0x5d: {  	s15 =	spop (v2sf)  }
0x5e: {  	s4 =	sshll.u32 s3, $0x11;
	s15 =	sshll.u32 s15, $0xD  }
0x5f: {  	s15 =	sadd.s32 s4, s15  }
0x60: {  	s15 =	sshrl.u32 s15, $0x3  }
0x61: {  	s3 =	simm.s32 $0x1480;
	s10 =	spop (v2sf);
	s15 =	sadd.s32 s1, s15  }
0x62: {  	[tilespmem:s3], [sflag:$0x1] =	stream.linear.gather [hbm4b:s15+s12], $0x2000, $0x38;
	[tilespmem:$0x17680] =	vst v63  }
0x63: {  	s15 =	sshll.u32 s10, $0xD  }
0x64: {  	s13 =	sshll.u32 s13, $0xD;
	s15 =	sadd.s32 s4, s15  }
0x65: {  	s13 =	sadd.s32 s4, s13;
	s16 =	sshll.u32 s14, $0xD;
	s15 =	sshrl.u32 s15, $0x3  }
0x66: {  	s13 =	sshrl.u32 s13, $0x3;
	s4 =	sadd.s32 s4, s16;
	s15 =	sadd.s32 s1, s15  }
0x67: {  	[tilespmem:s26], [sflag:$0x1] =	stream.linear.gather [hbm4b:s15+s12], $0x2000, $0x38;
	[tilespmem:$0x17680] =	vst v63  }
0x68: {  	s13 =	sadd.s32 s1, s13;
	s4 =	sshrl.u32 s4, $0x3  }
0x69: {  	[tilespmem:s28], [sflag:$0x1] =	stream.linear.gather [hbm4b:s13+s12], $0x2000, $0x38;
	[tilespmem:$0x17680] =	vst v63  }
0x6a: {  	s4 =	sadd.s32 s1, s4  }
0x6b: {  	[tilespmem:s29], [sflag:$0x1] =	stream.linear.gather [hbm4b:s4+s12], $0x2000, $0x38;
	[tilespmem:$0x17680] =	vst v63  }
0x6c: {  	v4 =	vld.idx.msk [tilespmem:v4+s12+$0x0], $0xffff;
	_ =	sdelay $0x4  }
0x6d: {  	v4 =	vxor.u32 $0x80000000, v4  }
0x6e: {  	(xrf0) =	vmax.scan.msk.u32 $0xffff, v4;
	_ =	sdelay $0x5  }
0x6f: {  	v4, _, _ =	vpop (xrf0)  }
0x70: {  	(v2sf) =	vpush v4, $0xF;
	_ =	sdelay $0xe  }
0x71: {  	s17 =	spop (v2sf)  }
0x72: {  	s20 =	sshll.u32 s17, $0x6  }
0x73: {  	s21 =	rddreg [dreg:$0x3];
	s4 =	sshll.u32 s17, $0xB;
	s13 =	sand.u32 $0x1FFFFFC0, s20  }
0x74: {  	s4 =	sand.u32 $0x1FFFF800, s4;
	s13 =	sadd.s32 s21, s13  }
0x75: {  	[tilespmem:s30], [sflag:$0x2] =	stream.linear.gather [hbm4b:s13+s12], $0x200, $0x38;
	[tilespmem:$0x17680] =	vst v63  }
0x76: {  	s4 =	sadd.s32 s6, s4  }
0x77: {  	[tilespmem:s31], [sflag:$0x2] =	stream.linear.gather [hbm4b:s4+s12], $0x4000, $0x38;
	[tilespmem:$0x17680] =	vst v63  }
0x78: {  	_ =	swait.ge [sflag:s2], $0x2000  }
0x79: {  	[sflag:s2] =	ssyncset.done $0x0  }
0x7a: {  	[sflag:s2] =	ssyncadd.s32 $0xFFFFE000  }
0x7b: {  	_ =	swait.ge [sflag:s2], $0x2000  }
0x7c: {  	[sflag:s2] =	ssyncset.done $0x0  }
0x7d: {  	[sflag:s2] =	ssyncadd.s32 $0xFFFFE000  }
0x7e: {  	_ =	swait.ge [sflag:s2], $0x2000  }
0x7f: {  	[sflag:s2] =	ssyncset.done $0x0  }
0x80: {  	[sflag:s2] =	ssyncadd.s32 $0xFFFFE000  }
0x81: {  	_ =	swait.ge [sflag:s2], $0x2000  }
0x82: {  	[sflag:s2] =	ssyncset.done $0x0  }
0x83: {  	[sflag:s2] =	ssyncadd.s32 $0xFFFFE000  }
0x84: {  	_ =	swait.ge [sflag:s0], $0x200  }
0x85: {  	[sflag:s0] =	ssyncset.done $0x0  }
0x86: {  	[sflag:s0] =	ssyncadd.s32 $0xFFFFFE00  }
0x87: {  	_ =	swait.ge [sflag:s0], $0x4000  }
0x88: {  	[sflag:s0] =	ssyncset.done $0x0  }
0x89: {  	[sflag:s0] =	ssyncadd.s32 $0xFFFFC000  }
0x8a: {  	v4 =	vld [tilespmem:$0xD480]  }
0x8b: {  	v5 =	vld [tilespmem:$0xD490]  }
0x8c: {  	v6 =	vld [tilespmem:$0xD4A0]  }
0x8d: {  	v7 =	vld [tilespmem:$0xD4B0]  }
0x8e: {  	v8 =	vld [tilespmem:$0xD4C0]  }
0x8f: {  	[tilespmem:$0xD680] =	vst v4;
	v4 =	vld [tilespmem:$0xD4D0]  }
0x90: {  	[tilespmem:$0xD690] =	vst v5;
	v5 =	vld [tilespmem:$0xD4E0]  }
0x91: {  	[tilespmem:$0xD6A0] =	vst v6;
	v6 =	vld [tilespmem:$0xD4F0]  }
0x92: {  	[tilespmem:$0xD6B0] =	vst v7;
	v7 =	vld [tilespmem:$0xD500]  }
0x93: {  	[tilespmem:$0xD6C0] =	vst v8;
	v8 =	vld [tilespmem:$0xD510]  }
0x94: {  	[tilespmem:$0xD6D0] =	vst v4;
	v4 =	vld [tilespmem:$0xD520]  }
0x95: {  	[tilespmem:$0xD6E0] =	vst v5;
	v5 =	vld [tilespmem:$0xD530]  }
0x96: {  	[tilespmem:$0xD6F0] =	vst v6;
	v6 =	vld [tilespmem:$0xD540]  }
0x97: {  	[tilespmem:$0xDA80] =	vst v7;
	v7 =	vld [tilespmem:$0xD550]  }
0x98: {  	[tilespmem:$0xDA90] =	vst v8;
	v8 =	vld [tilespmem:$0xD560]  }
0x99: {  	[tilespmem:$0xDAA0] =	vst v4;
	v4 =	vld [tilespmem:$0xD570]  }
0x9a: {  	[tilespmem:$0xDAB0] =	vst v5;
	v5 =	vld [tilespmem:$0xD580]  }
0x9b: {  	[tilespmem:$0xDAC0] =	vst v6;
	v6 =	vld [tilespmem:$0xD590]  }
0x9c: {  	[tilespmem:$0xDAD0] =	vst v7;
	v7 =	vld [tilespmem:$0xD5A0]  }
0x9d: {  	[tilespmem:$0xDAE0] =	vst v8;
	v8 =	vld [tilespmem:$0xD5B0]  }
0x9e: {  	[tilespmem:$0xDAF0] =	vst v4;
	v4 =	vld [tilespmem:$0xD5C0]  }
0x9f: {  	[tilespmem:$0xDE80] =	vst v5;
	v5 =	vld [tilespmem:$0xD5D0]  }
0xa0: {  	[tilespmem:$0xDE90] =	vst v6;
	v6 =	vld [tilespmem:$0xD5E0]  }
0xa1: {  	[tilespmem:$0xDEA0] =	vst v7;
	v7 =	vld [tilespmem:$0xD5F0]  }
0xa2: {  	[tilespmem:$0xDEB0] =	vst v8;
	v8 =	vld [tilespmem:$0xD600]  }
0xa3: {  	[tilespmem:$0xDEC0] =	vst v4;
	v4 =	vld [tilespmem:$0xD610]  }
0xa4: {  	[tilespmem:$0xDED0] =	vst v5;
	v5 =	vld [tilespmem:$0xD620]  }
0xa5: {  	[tilespmem:$0xDEE0] =	vst v6;
	v6 =	vld [tilespmem:$0xD630]  }
0xa6: {  	[tilespmem:$0xDEF0] =	vst v7;
	v7 =	vld [tilespmem:$0xD640]  }
0xa7: {  	[tilespmem:$0xE280] =	vst v8;
	v8 =	vld [tilespmem:$0xD650]  }
0xa8: {  	[tilespmem:$0xE290] =	vst v4;
	v4 =	vld [tilespmem:$0xD660]  }
0xa9: {  	[tilespmem:$0xE2A0] =	vst v5;
	v5 =	vld [tilespmem:$0xD670]  }
0xaa: {  	[tilespmem:$0xE2B0] =	vst v6  }
0xab: {  	[tilespmem:$0xE2C0] =	vst v7  }
0xac: {  	s22 =	simm.s32 $0x0;
	[tilespmem:$0xE2D0] =	vst v8  }
0xad: {  	s25 =	sand.u32 $0x1000, s12;
	s4 =	sand.u32 $0x380, s22;
	[tilespmem:$0xE2E0] =	vst v4  }
0xae: {  	s15 =	sand.u32 $0xC00, s12;
	s4 =	sor.u32 s4, s25;
	[tilespmem:$0xE2F0] =	vst v5  }
0xaf: {  	s16 =	sor.u32 s15, s4;
	v3 =	vld.idx.msk [tilespmem:v3+s19+$0x0], $0xffff  }
0xb0: {  	v8 =	vld [tilespmem:s16+$0x14C0]  }
0xb1: {  	v5 =	vld [tilespmem:s16+$0x14B0]  }
0xb2: {  	v4 =	vld [tilespmem:s16+$0x14E0]  }
0xb3: {  	s14 =	simm.s32 $0x400;
	s3 =	simm.s32 $0x200;
	v9 =	vld [tilespmem:s16+$0x14A0]  }
0xb4: {  	s10 =	simm.s32 $0x80;
	s17 =	simm.s32 $0x20;
	s4 =	simm.s32 $0x80;
	v11 =	vld [tilespmem:s16+$0x1490]  }
0xb5: {  	s20 =	sand.u32 $0x3000, s3;
	s22 =	sand.u32 $0x380, s17;
	s21 =	sand.u32 $0x1000, s4;
	v13 =	vld [tilespmem:s16+$0x1480]  }
0xb6: {  	s13 =	sand.u32 $0xC00, s14;
	s12 =	sand.u32 $0x380, s10;
	s21 =	sor.u32 s22, s21;
	v6 =	vld [tilespmem:s16+$0x14D0]  }
0xb7: {  	s20 =	sor.u32 s12, s20;
	s12 =	sor.u32 s13, s21;
	v7 =	vld [tilespmem:s16+$0x14F0];
	v14 =	vmul.f32 v4, v3  }
0xb8: {  	s25 =	simm.s32 $0x80;
	s15 =	sor.u32 s15, s20;
	s22 =	simm.s32 $0x200;
	v4 =	vld [tilespmem:s12+$0x14C0];
	v15 =	vmul.f32 v9, v3  }
0xb9: {  	s21 =	sand.u32 $0x380, s25;
	s16 =	sand.u32 $0x3000, s22;
	v10 =	vmul.f32 v5, v3;
	v5 =	vld [tilespmem:s12+$0x14B0];
	v12 =	vmul.f32 v11, v3;
	[tilespmem:s15+$0xD6E0] =	vst v14  }
0xba: {  	s20 =	simm.s32 $0x8;
	s16 =	sor.u32 s21, s16;
	v8 =	vmul.f32 v8, v3;
	v9 =	vld [tilespmem:s12+$0x14E0];
	v11 =	vmul.f32 v13, v3;
	[tilespmem:s15+$0xD6A0] =	vst v15  }
.LBB2_3:
0xbb: {  	s20 =	sadd.s32 $0x8, s20;
	v13 =	vld [tilespmem:s12+$0x14A0];
	s14 =	sadd.s32 $0x400, s14;
	[tilespmem:s15+$0xD690] =	vst v12;
	s4 =	sadd.s32 $0x80, s4  }
0xbc: {  	v14 =	vmul.f32 v6, v3;
	s21 =	sshrl.u32 s20, $0x5;
	s22 =	sshll.u32 s20, $0x2;
	v12 =	vld [tilespmem:s12+$0x1490];
	[tilespmem:s15+$0xD6B0] =	vst v10;
	v7 =	vmul.f32 v7, v3;
	s10 =	sand.u32 $0x1000, s4  }
0xbd: {  	p0 =	slt.u32 s20, $0x178;
	s22 =	sand.u32 $0x380, s22;
	s21 =	sadd.s32 $0x1, s21;
	v15 =	vld [tilespmem:s12+$0x1480];
	[tilespmem:s15+$0xD680] =	vst v11;
	v11 =	vmov v4  }
.Ltmp0:
0xbe: {  	s17 =	sand.u32 $0xC00, s14;
	s10 =	sor.u32 s22, s10;
	v6 =	vld [tilespmem:s12+$0x14D0];
	[tilespmem:s15+$0xD6F0] =	vst v7;
	(pc) =	sbr.rel @p0 .LBB2_3-.Ltmp0, $4  }
0xbf: {  	s22 =	sshll.u32 s21, $0x9;
	s21 =	sshll.u32 s21, $0x7;
	v9 =	vmul.f32 v9, v3;
	v7 =	vld [tilespmem:s12+$0x14F0];
	s12 =	sor.u32 s17, s10;
	[tilespmem:s15+$0xD6C0] =	vst v8  }
0xc0: {  	v10 =	vmul.f32 v5, v3;
	s10 =	sand.u32 $0x3000, s22;
	s21 =	sand.u32 $0x380, s21;
	v4 =	vld [tilespmem:s12+$0x14C0];
	v13 =	vmul.f32 v13, v3;
	[tilespmem:s15+$0xD6D0] =	vst v14;
	s15 =	sor.u32 s13, s16  }
0xc1: {  	v8 =	vmul.f32 v11, v3;
	s16 =	sor.u32 s21, s10;
	s13 =	smov.u32 s17;
	v5 =	vld [tilespmem:s12+$0x14B0];
	v12 =	vmul.f32 v12, v3;
	[tilespmem:s15+$0xD6E0] =	vst v9  }
0xc2: {  	v9 =	vld [tilespmem:s12+$0x14E0];
	v11 =	vmul.f32 v15, v3;
	[tilespmem:s15+$0xD6A0] =	vst v13  }
0xc3: {  	[tilespmem:s15+$0xD690] =	vst v12  }
0xc4: {  	[tilespmem:s15+$0xD6B0] =	vst v10  }
0xc5: {  	v13 =	vld [tilespmem:s12+$0x14A0];
	v6 =	vmul.f32 v6, v3;
	[tilespmem:s15+$0xD6C0] =	vst v8  }
0xc6: {  	v61 =	vld [tilespmem:s12+$0x1490];
	v7 =	vmul.f32 v7, v3;
	[tilespmem:s15+$0xD680] =	vst v11  }
0xc7: {  	v10 =	vld [tilespmem:s12+$0x1480];
	[tilespmem:s15+$0xD6D0] =	vst v6;
	v4 =	vmul.f32 v4, v3  }
0xc8: {  	s4 =	sor.u32 s13, s16;
	[tilespmem:s15+$0xD6F0] =	vst v7;
	v5 =	vmul.f32 v5, v3;
	v7 =	vmul.f32 v9, v3;
	v9 =	vld [tilespmem:s12+$0x14F0]  }
0xc9: {  	v6 =	vld [tilespmem:s12+$0x14D0];
	[tilespmem:s4+$0xD6C0] =	vst v4  }
0xca: {  	v8 =	vmul.f32 v13, v3;
	[tilespmem:s4+$0xD6B0] =	vst v5  }
0xcb: {  	v11 =	vmul.f32 v61, v3;
	[tilespmem:s4+$0xD6E0] =	vst v7  }
0xcc: {  	v7 =	vmul.f32 v10, v3;
	[tilespmem:s4+$0xD6A0] =	vst v8  }
0xcd: {  	[tilespmem:s4+$0xD690] =	vst v11;
	v5 =	vmul.f32 v9, v3  }
0xce: {  	s10 =	simm.s32 $0x0;
	s16 =	simm.s32 $0x0;
	[tilespmem:s4+$0xD680] =	vst v7;
	v3 =	vmul.f32 v6, v3  }
0xcf: {  	s17 =	sand.u32 $0x1000, s10;
	s12 =	sand.u32 $0x380, s16;
	[tilespmem:s4+$0xD6F0] =	vst v5  }
0xd0: {  	s10 =	sand.u32 $0xC00, s10;
	s20 =	sor.u32 s12, s17;
	[tilespmem:s4+$0xD6D0] =	vst v3  }
0xd1: {  	s15 =	sor.u32 s10, s20;
	v2 =	vld.idx.msk [tilespmem:v2+s19+$0x0], $0xffff  }
0xd2: {  	v7 =	vld [tilespmem:s15+$0x34C0]  }
0xd3: {  	v4 =	vld [tilespmem:s15+$0x34B0]  }
0xd4: {  	v3 =	vld [tilespmem:s15+$0x34E0]  }
0xd5: {  	s21 =	simm.s32 $0x1A00;
	s22 =	simm.s32 $0x680;
	v8 =	vld [tilespmem:s15+$0x34A0]  }
0xd6: {  	s3 =	simm.s32 $0x20;
	s14 =	simm.s32 $0x400;
	s4 =	simm.s32 $0x80;
	v10 =	vld [tilespmem:s15+$0x3490]  }
0xd7: {  	s25 =	sand.u32 $0x3000, s21;
	s20 =	sand.u32 $0x380, s3;
	s17 =	sand.u32 $0x1000, s4;
	v62 =	vld [tilespmem:s15+$0x3480]  }
0xd8: {  	s13 =	sand.u32 $0xC00, s14;
	s12 =	sand.u32 $0x380, s22;
	v5 =	vld [tilespmem:s15+$0x34D0];
	s17 =	sor.u32 s20, s17  }
0xd9: {  	s16 =	sor.u32 s12, s25;
	v6 =	vld [tilespmem:s15+$0x34F0];
	s12 =	sor.u32 s13, s17;
	v63 =	vmul.f32 v3, v2  }
0xda: {  	s21 =	simm.s32 $0x680;
	s15 =	sor.u32 s10, s16;
	s20 =	simm.s32 $0x1A00;
	v3 =	vld [tilespmem:s12+$0x34C0];
	v14 =	vmul.f32 v8, v2  }
0xdb: {  	s25 =	sand.u32 $0x380, s21;
	s22 =	sand.u32 $0x3000, s20;
	v9 =	vmul.f32 v4, v2;
	v4 =	vld [tilespmem:s12+$0x34B0];
	v11 =	vmul.f32 v10, v2;
	[tilespmem:s15+$0xD6E0] =	vst v63  }
0xdc: {  	s20 =	simm.s32 $0x8;
	s16 =	sor.u32 s25, s22;
	v7 =	vmul.f32 v7, v2;
	v8 =	vld [tilespmem:s12+$0x34E0];
	v10 =	vmul.f32 v62, v2;
	[tilespmem:s15+$0xD6A0] =	vst v14  }
.LBB2_5:
0xdd: {  	s20 =	sadd.s32 $0x8, s20;
	v12 =	vld [tilespmem:s12+$0x34A0];
	s14 =	sadd.s32 $0x400, s14;
	[tilespmem:s15+$0xD690] =	vst v11;
	s4 =	sadd.s32 $0x80, s4  }
0xde: {  	v13 =	vmul.f32 v5, v2;
	s10 =	sshrl.u32 s20, $0x5;
	s17 =	sshll.u32 s20, $0x2;
	v11 =	vld [tilespmem:s12+$0x3490];
	[tilespmem:s15+$0xD6B0] =	vst v9;
	v6 =	vmul.f32 v6, v2;
	s21 =	sand.u32 $0x1000, s4  }
0xdf: {  	p0 =	slt.u32 s20, $0x178;
	s17 =	sand.u32 $0x380, s17;
	s10 =	sadd.s32 $0xD, s10;
	v14 =	vld [tilespmem:s12+$0x3480];
	[tilespmem:s15+$0xD680] =	vst v10;
	v10 =	vmov v3  }
.Ltmp1:
0xe0: {  	s22 =	sand.u32 $0xC00, s14;
	s17 =	sor.u32 s17, s21;
	v5 =	vld [tilespmem:s12+$0x34D0];
	[tilespmem:s15+$0xD6F0] =	vst v6;
	(pc) =	sbr.rel @p0 .LBB2_5-.Ltmp1, $4  }
0xe1: {  	s21 =	sshll.u32 s10, $0x9;
	s10 =	sshll.u32 s10, $0x7;
	v8 =	vmul.f32 v8, v2;
	v6 =	vld [tilespmem:s12+$0x34F0];
	s12 =	sor.u32 s22, s17;
	[tilespmem:s15+$0xD6C0] =	vst v7  }
0xe2: {  	v9 =	vmul.f32 v4, v2;
	s17 =	sand.u32 $0x3000, s21;
	s10 =	sand.u32 $0x380, s10;
	v3 =	vld [tilespmem:s12+$0x34C0];
	v12 =	vmul.f32 v12, v2;
	[tilespmem:s15+$0xD6D0] =	vst v13;
	s15 =	sor.u32 s13, s16  }
0xe3: {  	v7 =	vmul.f32 v10, v2;
	s16 =	sor.u32 s10, s17;
	s13 =	smov.u32 s22;
	v4 =	vld [tilespmem:s12+$0x34B0];
	v11 =	vmul.f32 v11, v2;
	[tilespmem:s15+$0xD6E0] =	vst v8  }
0xe4: {  	v8 =	vld [tilespmem:s12+$0x34E0];
	v10 =	vmul.f32 v14, v2;
	[tilespmem:s15+$0xD6A0] =	vst v12  }
0xe5: {  	[tilespmem:s15+$0xD690] =	vst v11  }
0xe6: {  	[tilespmem:s15+$0xD6B0] =	vst v9  }
0xe7: {  	v12 =	vld [tilespmem:s12+$0x34A0];
	v5 =	vmul.f32 v5, v2;
	[tilespmem:s15+$0xD6C0] =	vst v7  }
0xe8: {  	v11 =	vld [tilespmem:s12+$0x3490];
	v6 =	vmul.f32 v6, v2;
	[tilespmem:s15+$0xD680] =	vst v10  }
0xe9: {  	v9 =	vld [tilespmem:s12+$0x3480];
	[tilespmem:s15+$0xD6D0] =	vst v5;
	v3 =	vmul.f32 v3, v2  }
0xea: {  	s4 =	sor.u32 s13, s16;
	[tilespmem:s15+$0xD6F0] =	vst v6;
	v4 =	vmul.f32 v4, v2;
	v6 =	vmul.f32 v8, v2;
	v8 =	vld [tilespmem:s12+$0x34F0]  }
0xeb: {  	v5 =	vld [tilespmem:s12+$0x34D0];
	[tilespmem:s4+$0xD6C0] =	vst v3  }
0xec: {  	v7 =	vmul.f32 v12, v2;
	[tilespmem:s4+$0xD6B0] =	vst v4  }
0xed: {  	v10 =	vmul.f32 v11, v2;
	[tilespmem:s4+$0xD6E0] =	vst v6  }
0xee: {  	v6 =	vmul.f32 v9, v2;
	[tilespmem:s4+$0xD6A0] =	vst v7  }
0xef: {  	[tilespmem:s4+$0xD690] =	vst v10;
	v4 =	vmul.f32 v8, v2  }
0xf0: {  	s10 =	simm.s32 $0x0;
	s16 =	simm.s32 $0x0;
	[tilespmem:s4+$0xD680] =	vst v6;
	v2 =	vmul.f32 v5, v2  }
0xf1: {  	s17 =	sand.u32 $0x1000, s10;
	s12 =	sand.u32 $0x380, s16;
	[tilespmem:s4+$0xD6F0] =	vst v4  }
0xf2: {  	s10 =	sand.u32 $0xC00, s10;
	s20 =	sor.u32 s12, s17;
	[tilespmem:s4+$0xD6D0] =	vst v2  }
0xf3: {  	s15 =	sor.u32 s10, s20;
	v1 =	vld.idx.msk [tilespmem:v1+s19+$0x0], $0xffff  }
0xf4: {  	v6 =	vld [tilespmem:s15+$0x54C0]  }
0xf5: {  	v3 =	vld [tilespmem:s15+$0x54B0]  }
0xf6: {  	v2 =	vld [tilespmem:s15+$0x54E0]  }
0xf7: {  	s21 =	simm.s32 $0x3200;
	s22 =	simm.s32 $0xC80;
	v7 =	vld [tilespmem:s15+$0x54A0]  }
0xf8: {  	s3 =	simm.s32 $0x20;
	s14 =	simm.s32 $0x400;
	s4 =	simm.s32 $0x80;
	v9 =	vld [tilespmem:s15+$0x5490]  }
0xf9: {  	s25 =	sand.u32 $0x7000, s21;
	s20 =	sand.u32 $0x380, s3;
	s17 =	sand.u32 $0x1000, s4;
	v11 =	vld [tilespmem:s15+$0x5480]  }
0xfa: {  	s13 =	sand.u32 $0xC00, s14;
	s12 =	sand.u32 $0x380, s22;
	v4 =	vld [tilespmem:s15+$0x54D0];
	s17 =	sor.u32 s20, s17  }
0xfb: {  	s16 =	sor.u32 s12, s25;
	v5 =	vld [tilespmem:s15+$0x54F0];
	s12 =	sor.u32 s13, s17;
	v63 =	vmul.f32 v2, v1  }
0xfc: {  	s21 =	simm.s32 $0xC80;
	s15 =	sor.u32 s10, s16;
	s20 =	simm.s32 $0x3200;
	v2 =	vld [tilespmem:s12+$0x54C0];
	v13 =	vmul.f32 v7, v1  }
0xfd: {  	s25 =	sand.u32 $0x380, s21;
	s22 =	sand.u32 $0x7000, s20;
	v8 =	vmul.f32 v3, v1;
	v3 =	vld [tilespmem:s12+$0x54B0];
	v10 =	vmul.f32 v9, v1;
	[tilespmem:s15+$0xD6E0] =	vst v63  }
0xfe: {  	s20 =	simm.s32 $0x8;
	s16 =	sor.u32 s25, s22;
	v6 =	vmul.f32 v6, v1;
	v7 =	vld [tilespmem:s12+$0x54E0];
	v9 =	vmul.f32 v11, v1;
	[tilespmem:s15+$0xD6A0] =	vst v13  }
.LBB2_7:
0xff: {  	s20 =	sadd.s32 $0x8, s20;
	v11 =	vld [tilespmem:s12+$0x54A0];
	s14 =	sadd.s32 $0x400, s14;
	[tilespmem:s15+$0xD690] =	vst v10;
	s4 =	sadd.s32 $0x80, s4  }
0x100: {  	v12 =	vmul.f32 v4, v1;
	s10 =	sshrl.u32 s20, $0x5;
	s17 =	sshll.u32 s20, $0x2;
	v10 =	vld [tilespmem:s12+$0x5490];
	[tilespmem:s15+$0xD6B0] =	vst v8;
	v5 =	vmul.f32 v5, v1;
	s21 =	sand.u32 $0x1000, s4  }
0x101: {  	p0 =	slt.u32 s20, $0x178;
	s17 =	sand.u32 $0x380, s17;
	s10 =	sadd.s32 $0x19, s10;
	v13 =	vld [tilespmem:s12+$0x5480];
	[tilespmem:s15+$0xD680] =	vst v9;
	v9 =	vmov v2  }
.Ltmp2:
0x102: {  	s22 =	sand.u32 $0xC00, s14;
	s17 =	sor.u32 s17, s21;
	v4 =	vld [tilespmem:s12+$0x54D0];
	[tilespmem:s15+$0xD6F0] =	vst v5;
	(pc) =	sbr.rel @p0 .LBB2_7-.Ltmp2, $4  }
0x103: {  	s21 =	sshll.u32 s10, $0x9;
	s10 =	sshll.u32 s10, $0x7;
	v7 =	vmul.f32 v7, v1;
	v5 =	vld [tilespmem:s12+$0x54F0];
	s12 =	sor.u32 s22, s17;
	[tilespmem:s15+$0xD6C0] =	vst v6  }
0x104: {  	v8 =	vmul.f32 v3, v1;
	s17 =	sand.u32 $0x7000, s21;
	s10 =	sand.u32 $0x380, s10;
	v2 =	vld [tilespmem:s12+$0x54C0];
	v11 =	vmul.f32 v11, v1;
	[tilespmem:s15+$0xD6D0] =	vst v12;
	s15 =	sor.u32 s13, s16  }
0x105: {  	v6 =	vmul.f32 v9, v1;
	s16 =	sor.u32 s10, s17;
	s13 =	smov.u32 s22;
	v3 =	vld [tilespmem:s12+$0x54B0];
	v10 =	vmul.f32 v10, v1;
	[tilespmem:s15+$0xD6E0] =	vst v7  }
0x106: {  	v7 =	vld [tilespmem:s12+$0x54E0];
	v9 =	vmul.f32 v13, v1;
	[tilespmem:s15+$0xD6A0] =	vst v11  }
0x107: {  	[tilespmem:s15+$0xD690] =	vst v10  }
0x108: {  	[tilespmem:s15+$0xD6B0] =	vst v8  }
0x109: {  	v11 =	vld [tilespmem:s12+$0x54A0];
	v4 =	vmul.f32 v4, v1;
	[tilespmem:s15+$0xD6C0] =	vst v6  }
0x10a: {  	v10 =	vld [tilespmem:s12+$0x5490];
	v5 =	vmul.f32 v5, v1;
	[tilespmem:s15+$0xD680] =	vst v9  }
0x10b: {  	v8 =	vld [tilespmem:s12+$0x5480];
	[tilespmem:s15+$0xD6D0] =	vst v4;
	v2 =	vmul.f32 v2, v1  }
0x10c: {  	s4 =	sor.u32 s13, s16;
	[tilespmem:s15+$0xD6F0] =	vst v5;
	v3 =	vmul.f32 v3, v1;
	v5 =	vmul.f32 v7, v1;
	v7 =	vld [tilespmem:s12+$0x54F0]  }
0x10d: {  	v4 =	vld [tilespmem:s12+$0x54D0];
	[tilespmem:s4+$0xD6C0] =	vst v2  }
0x10e: {  	v6 =	vmul.f32 v11, v1;
	[tilespmem:s4+$0xD6B0] =	vst v3  }
0x10f: {  	v9 =	vmul.f32 v10, v1;
	[tilespmem:s4+$0xD6E0] =	vst v5  }
0x110: {  	v5 =	vmul.f32 v8, v1;
	[tilespmem:s4+$0xD6A0] =	vst v6  }
0x111: {  	[tilespmem:s4+$0xD690] =	vst v9;
	v3 =	vmul.f32 v7, v1  }
0x112: {  	s10 =	simm.s32 $0x0;
	s15 =	simm.s32 $0x0;
	[tilespmem:s4+$0xD680] =	vst v5;
	v1 =	vmul.f32 v4, v1  }
0x113: {  	s16 =	sand.u32 $0x1000, s10;
	s12 =	sand.u32 $0x380, s15;
	[tilespmem:s4+$0xD6F0] =	vst v3  }
0x114: {  	s10 =	sand.u32 $0xC00, s10;
	s17 =	sor.u32 s12, s16;
	[tilespmem:s4+$0xD6D0] =	vst v1  }
0x115: {  	s12 =	sor.u32 s10, s17;
	v0 =	vld.idx.msk [tilespmem:v0+s19+$0x0], $0xffff  }
0x116: {  	v5 =	vld [tilespmem:s12+$0x74C0]  }
0x117: {  	v2 =	vld [tilespmem:s12+$0x74B0]  }
0x118: {  	v1 =	vld [tilespmem:s12+$0x74E0]  }
0x119: {  	s20 =	simm.s32 $0x4A00;
	s21 =	simm.s32 $0x1280;
	v6 =	vld [tilespmem:s12+$0x74A0]  }
0x11a: {  	s22 =	simm.s32 $0x20;
	s14 =	sand.u32 $0x7000, s20;
	s15 =	simm.s32 $0x80;
	v8 =	vld [tilespmem:s12+$0x7490]  }
0x11b: {  	s20 =	sand.u32 $0x380, s22;
	s17 =	sand.u32 $0x1000, s15;
	s4 =	simm.s32 $0x400;
	v10 =	vld [tilespmem:s12+$0x7480]  }
0x11c: {  	s13 =	sand.u32 $0x380, s21;
	s17 =	sor.u32 s20, s17;
	s16 =	sand.u32 $0xC00, s4;
	v3 =	vld [tilespmem:s12+$0x74D0]  }
0x11d: {  	s14 =	sor.u32 s13, s14;
	v4 =	vld [tilespmem:s12+$0x74F0];
	s13 =	sor.u32 s16, s17;
	v11 =	vmul.f32 v1, v0  }
0x11e: {  	s25 =	simm.s32 $0x4A00;
	s3 =	simm.s32 $0x1280;
	s20 =	sor.u32 s10, s14;
	v1 =	vld [tilespmem:s13+$0x74C0];
	v12 =	vmul.f32 v6, v0  }
0x11f: {  	s21 =	sand.u32 $0x7000, s25;
	s25 =	sand.u32 $0x380, s3;
	v7 =	vmul.f32 v2, v0;
	v2 =	vld [tilespmem:s13+$0x74B0];
	v9 =	vmul.f32 v8, v0;
	[tilespmem:s20+$0xD6E0] =	vst v11  }
0x120: {  	s22 =	simm.s32 $0x8;
	s21 =	sor.u32 s25, s21;
	s12 =	simm.s32 $0x0;
	v5 =	vmul.f32 v5, v0;
	v6 =	vld [tilespmem:s13+$0x74E0];
	v8 =	vmul.f32 v10, v0;
	[tilespmem:s20+$0xD6A0] =	vst v12  }
.LBB2_9:
0x121: {  	s22 =	sadd.s32 $0x8, s22  }
0x122: {  	v10 =	vld [tilespmem:s13+$0x74A0];
	s4 =	sadd.s32 $0x400, s4;
	[tilespmem:s20+$0xD690] =	vst v9;
	s14 =	simm.s32 $0x8670;
	s15 =	sadd.s32 $0x80, s15  }
0x123: {  	v11 =	vmul.f32 v3, v0;
	s10 =	sshrl.u32 s22, $0x5;
	s17 =	sshll.u32 s22, $0x2;
	v9 =	vld [tilespmem:s13+$0x7490];
	[tilespmem:s20+$0xD6B0] =	vst v7;
	v4 =	vmul.f32 v4, v0;
	s3 =	sand.u32 $0x1000, s15  }
0x124: {  	p0 =	slt.u32 s22, $0x158;
	s17 =	sand.u32 $0x380, s17;
	s10 =	sadd.s32 $0x25, s10;
	v12 =	vld [tilespmem:s13+$0x7480];
	[tilespmem:s20+$0xD680] =	vst v8;
	v8 =	vmov v1  }
.Ltmp3:
0x125: {  	s25 =	sand.u32 $0xC00, s4;
	s3 =	sor.u32 s17, s3;
	v3 =	vld [tilespmem:s13+$0x74D0];
	[tilespmem:s20+$0xD6F0] =	vst v4;
	(pc) =	sbr.rel @p0 .LBB2_9-.Ltmp3, $4  }
0x126: {  	s17 =	sshll.u32 s10, $0x9;
	s10 =	sshll.u32 s10, $0x7;
	v6 =	vmul.f32 v6, v0;
	v4 =	vld [tilespmem:s13+$0x74F0];
	s13 =	sor.u32 s25, s3;
	[tilespmem:s20+$0xD6C0] =	vst v5  }
0x127: {  	v7 =	vmul.f32 v2, v0;
	s3 =	sand.u32 $0x7000, s17;
	s10 =	sand.u32 $0x380, s10;
	v1 =	vld [tilespmem:s13+$0x74C0];
	v10 =	vmul.f32 v10, v0;
	[tilespmem:s20+$0xD6D0] =	vst v11;
	s20 =	sor.u32 s16, s21  }
0x128: {  	v5 =	vmul.f32 v8, v0;
	s21 =	sor.u32 s10, s3;
	s16 =	smov.u32 s25;
	v2 =	vld [tilespmem:s13+$0x74B0];
	v9 =	vmul.f32 v9, v0;
	[tilespmem:s20+$0xD6E0] =	vst v6  }
0x129: {  	v6 =	vld [tilespmem:s13+$0x74E0];
	v8 =	vmul.f32 v12, v0;
	[tilespmem:s20+$0xD6A0] =	vst v10  }
0x12a: {  	[tilespmem:s20+$0xD690] =	vst v9  }
0x12b: {  	[tilespmem:s20+$0xD6B0] =	vst v7  }
0x12c: {  	v10 =	vld [tilespmem:s13+$0x74A0];
	v3 =	vmul.f32 v3, v0;
	[tilespmem:s20+$0xD6C0] =	vst v5  }
0x12d: {  	v63 =	vld [tilespmem:s13+$0x7490];
	v4 =	vmul.f32 v4, v0;
	[tilespmem:s20+$0xD680] =	vst v8  }
0x12e: {  	v7 =	vld [tilespmem:s13+$0x7480];
	[tilespmem:s20+$0xD6D0] =	vst v3;
	v1 =	vmul.f32 v1, v0  }
0x12f: {  	s3 =	sor.u32 s16, s21;
	v3 =	vld [tilespmem:s13+$0x74D0];
	[tilespmem:s20+$0xD6F0] =	vst v4;
	v2 =	vmul.f32 v2, v0  }
0x130: {  	v4 =	vmul.f32 v6, v0;
	v6 =	vld [tilespmem:s13+$0x74F0];
	[tilespmem:s3+$0xD6C0] =	vst v1  }
0x131: {  	v5 =	vmul.f32 v10, v0;
	[tilespmem:s3+$0xD6B0] =	vst v2  }
0x132: {  	v8 =	vmul.f32 v63, v0;
	[tilespmem:s3+$0xD6E0] =	vst v4  }
0x133: {  	v4 =	vmul.f32 v7, v0;
	[tilespmem:s3+$0xD6A0] =	vst v5  }
0x134: {  	[tilespmem:s3+$0xD690] =	vst v8;
	v3 =	vmul.f32 v3, v0  }
0x135: {  	[tilespmem:s3+$0xD680] =	vst v4;
	v2 =	vmul.f32 v6, v0  }
0x136: {  	[tilespmem:s3+$0xD6D0] =	vst v3  }
0x137: {  	[tilespmem:s3+$0xD6F0] =	vst v2  }
0x138: {  	v3 =	vld [tilespmem:s14+$0x0]  }
0x139: {  	v5 =	vld [tilespmem:s14+$0xFFFFFFA0]  }
0x13a: {  	v7 =	vld [tilespmem:s14+$0xFFFFFFB0]  }
0x13b: {  	v4 =	vld [tilespmem:s14+$0xFFFFFFC0]  }
0x13c: {  	v2 =	vld [tilespmem:s14+$0xFFFFFFD0]  }
0x13d: {  	v1 =	vld [tilespmem:s14+$0xFFFFFFE0];
	v8 =	vmul.f32 v3, v0  }
0x13e: {  	s4 =	simm.s32 $0x136C0;
	v3 =	vld [tilespmem:s14+$0xFFFFFFF0];
	v6 =	vmul.f32 v5, v0  }
0x13f: {  	s13 =	simm.s32 $0x8A70;
	v5 =	vld [tilespmem:s14+$0xFFFFFF90];
	v7 =	vmul.f32 v7, v0;
	[tilespmem:s4+$0x30] =	vst v8  }
.LBB2_11:
0x140: {  	v8 =	vld [tilespmem:s13+$0x0];
	s12 =	sadd.s32 $0x8, s12;
	[tilespmem:s4+$0xFFFFFFD0] =	vst v6;
	v4 =	vmul.f32 v4, v0  }
0x141: {  	v6 =	vld [tilespmem:s13+$0xFFFFFFA0];
	p0 =	slt.u32 s12, $0x18;
	[tilespmem:s4+$0xFFFFFFE0] =	vst v7;
	v2 =	vmul.f32 v2, v0  }
0x142: {  	v7 =	vld [tilespmem:s13+$0xFFFFFFB0];
	[tilespmem:s4+$0xFFFFFFF0] =	vst v4;
	v1 =	vmul.f32 v1, v0  }
.Ltmp4:
0x143: {  	v4 =	vld [tilespmem:s13+$0xFFFFFFC0];
	[tilespmem:s4+$0x0] =	vst v2;
	v3 =	vmul.f32 v3, v0;
	(pc) =	sbr.rel @p0 .LBB2_11-.Ltmp4, $4  }
0x144: {  	v2 =	vld [tilespmem:s13+$0xFFFFFFD0];
	v5 =	vmul.f32 v5, v0;
	[tilespmem:s4+$0x10] =	vst v1  }
0x145: {  	v1 =	vld [tilespmem:s13+$0xFFFFFFE0];
	v8 =	vmul.f32 v8, v0;
	[tilespmem:s4+$0x20] =	vst v3  }
0x146: {  	v6 =	vmul.f32 v6, v0;
	v3 =	vld [tilespmem:s13+$0xFFFFFFF0];
	[tilespmem:s4+$0xFFFFFFC0] =	vst v5;
	s4 =	sadd.s32 $0x400, s4  }
0x147: {  	s14 =	simm.s32 $0x0;
	v5 =	vld [tilespmem:s13+$0xFFFFFF90];
	v7 =	vmul.f32 v7, v0;
	[tilespmem:s4+$0x30] =	vst v8;
	s13 =	sadd.s32 $0x400, s13  }
0x148: {  	[tilespmem:s4+$0xFFFFFFD0] =	vst v6;
	v4 =	vmul.f32 v4, v0  }
0x149: {  	[tilespmem:s4+$0xFFFFFFE0] =	vst v7;
	v2 =	vmul.f32 v2, v0  }
0x14a: {  	[tilespmem:s4+$0xFFFFFFF0] =	vst v4;
	v1 =	vmul.f32 v1, v0  }
0x14b: {  	s3 =	simm.s32 $0x0;
	[tilespmem:s4+$0x0] =	vst v2;
	v2 =	vmul.f32 v3, v0  }
0x14c: {  	s10 =	sand.u32 $0x3000, s14;
	s3 =	sand.u32 $0x380, s3;
	v0 =	vmul.f32 v5, v0;
	[tilespmem:s4+$0x10] =	vst v1  }
0x14d: {  	s12 =	sand.u32 $0xC00, s14;
	s3 =	sor.u32 s3, s10;
	[tilespmem:s4+$0x20] =	vst v2  }
0x14e: {  	s3 =	sor.u32 s12, s3;
	[tilespmem:s4+$0xFFFFFFC0] =	vst v0  }
0x14f: {  	s15 =	simm.s32 $0x200;
	s16 =	simm.s32 $0x80;
	v0 =	vld [tilespmem:s3+$0x94E0]  }
0x150: {  	s10 =	sand.u32 $0x380, s16;
	s4 =	sand.u32 $0x7000, s15;
	v1 =	vld [tilespmem:s3+$0x94D0]  }
0x151: {  	s4 =	sor.u32 s10, s4;
	v2 =	vld [tilespmem:s3+$0x94C0]  }
0x152: {  	v3 =	vld [tilespmem:s3+$0x94B0];
	s20 =	sor.u32 s12, s4  }
0x153: {  	s17 =	simm.s32 $0x20;
	v4 =	vld [tilespmem:s3+$0x94A0];
	s12 =	simm.s32 $0x80;
	s4 =	sadd.s32 $0x13680, s20  }
0x154: {  	s14 =	simm.s32 $0x400;
	s10 =	sand.u32 $0x380, s17;
	v5 =	vld [tilespmem:s3+$0x9490];
	s13 =	sand.u32 $0x3000, s12;
	[tilespmem:s4+$0x60] =	vst v0  }
0x155: {  	s15 =	sand.u32 $0xC00, s14;
	s10 =	sor.u32 s10, s13;
	v0 =	vld [tilespmem:s3+$0x9480];
	[tilespmem:s4+$0x50] =	vst v1  }
0x156: {  	s21 =	simm.s32 $0x200;
	s16 =	simm.s32 $0x80;
	s13 =	sor.u32 s15, s10;
	[tilespmem:s4+$0x40] =	vst v2;
	v2 =	vld [tilespmem:s3+$0x94F0]  }
0x157: {  	s22 =	sand.u32 $0x7000, s21;
	s25 =	sand.u32 $0x380, s16;
	v1 =	vld [tilespmem:s13+$0x94E0];
	[tilespmem:s4+$0x30] =	vst v3  }
0x158: {  	s3 =	sor.u32 s25, s22;
	v3 =	vld [tilespmem:s13+$0x94D0];
	[tilespmem:s4+$0x20] =	vst v4  }
0x159: {  	s16 =	simm.s32 $0x8;
	v4 =	vld [tilespmem:s13+$0x94C0];
	[tilespmem:s4+$0x10] =	vst v5;
	s15 =	sor.u32 s15, s3  }
.LBB2_13:
0x15a: {  	s16 =	sadd.s32 $0x8, s16  }
0x15b: {  	v5 =	vld [tilespmem:s13+$0x94B0];
	s14 =	sadd.s32 $0x400, s14;
	s12 =	sadd.s32 $0x80, s12;
	[tilespmem:s20+$0x13680] =	vst v0;
	s3 =	sshrl.u32 s16, $0x5  }
0x15c: {  	s10 =	sshll.u32 s16, $0x2;
	v6 =	vld [tilespmem:s13+$0x94A0];
	[tilespmem:s4+$0x70] =	vst v2;
	s4 =	sadd.s32 $0x13680, s15;
	s17 =	sand.u32 $0x3000, s12  }
0x15d: {  	p0 =	slt.u32 s16, $0x378;
	s10 =	sand.u32 $0x380, s10;
	s3 =	sadd.s32 $0x1, s3;
	v7 =	vld [tilespmem:s13+$0x9490];
	[tilespmem:s4+$0x60] =	vst v1  }
.Ltmp5:
0x15e: {  	s21 =	sand.u32 $0xC00, s14;
	s10 =	sor.u32 s10, s17;
	v0 =	vld [tilespmem:s13+$0x9480];
	[tilespmem:s4+$0x50] =	vst v3;
	(pc) =	sbr.rel @p0 .LBB2_13-.Ltmp5, $4  }
0x15f: {  	s17 =	sshll.u32 s3, $0x9;
	s3 =	sshll.u32 s3, $0x7;
	[tilespmem:s4+$0x40] =	vst v4;
	v2 =	vld [tilespmem:s13+$0x94F0];
	s13 =	sor.u32 s21, s10  }
0x160: {  	s10 =	sand.u32 $0x7000, s17;
	s3 =	sand.u32 $0x380, s3;
	v1 =	vld [tilespmem:s13+$0x94E0];
	[tilespmem:s4+$0x30] =	vst v5  }
0x161: {  	s20 =	smov.u32 s15;
	s3 =	sor.u32 s3, s10;
	v3 =	vld [tilespmem:s13+$0x94D0];
	[tilespmem:s4+$0x20] =	vst v6  }
0x162: {  	s15 =	sor.u32 s21, s3;
	v4 =	vld [tilespmem:s13+$0x94C0];
	[tilespmem:s4+$0x10] =	vst v7  }
0x163: {  	v5 =	vld [tilespmem:s13+$0x94B0];
	[tilespmem:s20+$0x13680] =	vst v0  }
0x164: {  	s3 =	sadd.s32 $0x13680, s15;
	v60 =	vld [tilespmem:s13+$0x94A0];
	[tilespmem:s4+$0x70] =	vst v2  }
0x165: {  	v61 =	vld [tilespmem:s13+$0x9490];
	[tilespmem:s3+$0x60] =	vst v1  }
0x166: {  	v62 =	vld [tilespmem:s13+$0x9480];
	[tilespmem:s3+$0x50] =	vst v3  }
0x167: {  	v63 =	vld [tilespmem:s13+$0x94F0];
	[tilespmem:s3+$0x40] =	vst v4  }
0x168: {  	[tilespmem:s3+$0x30] =	vst v5  }
0x169: {  	s22 =	sadd.s32 s8, s11;
	[tilespmem:s3+$0x20] =	vst v60  }
0x16a: {  	s4 =	smul.u32 $0x1400, s22;
	[tilespmem:s3+$0x10] =	vst v61  }
0x16b: {  	[tilespmem:s15+$0x13680] =	vst v62  }
0x16c: {  	s25 =	sadd.s32 s7, s4;
	[tilespmem:s3+$0x70] =	vst v63  }
0x16d: {  	[hbm4b:s25+s5] =	stream.linear.scatter [tilespmem:s23], [sflag:$0x3], $0x6000, $0x38;
	[tilespmem:$0x17680] =	vst v63  }
0x16e: {  	s11 =	sadd.s32 $0x1, s11;
	s3 =	sadd.s32 $0xC00, s25  }
0x16f: {  	[hbm4b:s3+s5] =	stream.linear.scatter [tilespmem:s24], [sflag:$0x3], $0x4000, $0x38;
	[tilespmem:$0x17680] =	vst v63  }
0x170: {  	p0 =	sne.s32 s11, $0x80;
	_ =	swait.ge [sflag:s9], $0x6000  }
.Ltmp6:
0x171: {  	[sflag:s9] =	ssyncset.done $0x0;
	(pc) =	sbr.rel @p0 .LBB2_2-.Ltmp6, $4  }
0x172: {  	[sflag:s9] =	ssyncadd.s32 $0xFFFFA000  }
0x173: {  	_ =	swait.ge [sflag:s9], $0x4000  }
0x174: {  	[sflag:s9] =	ssyncset.done $0x0  }
0x175: {  	[sflag:s9] =	ssyncadd.s32 $0xFFFFC000  }
0x176: {  	s4 =	rddreg [dreg:$0xe]  }
0x177: {  	s3 =	rddreg [dreg:$0xd];
	s4 =	sadd.s32 $0x1, s4  }
0x178: {  	p0 =	sne.s32 s4, s3  }
.Ltmp7:
0x179: {  	_ = 	snop;
	(pc) =	sbr.rel @p0 .LBB2_1-.Ltmp7, $1  }
0x17a: {  	_ =	sdelay $0x3  }
0x17b: {  	_ =	sfence.sel $0x180000  }
0x17c: {  	[bflag:$0x0] =	sbarrier.arrive $0xFFFF  }
0x17d: {  	_ =	strace $0x90000047  }
0x17e: {  	s0 =	stileid.u32;
	[bflag:$0x2] =	sbarrier.arrive $0xFFFF  }
0x17f: {  	p0 =	sne.s32 s0, $0x0;
	s0 =	rddreg [dreg:$0x5]  }
0x180: {  	s0 =	sadd.s32 @!p0 $0x100000, s0  }
0x181: {  	[sflag:s0] =	ssyncadd.tile.s32 @!p0 $0x1;
	_ =	shalt  }
.Lfunc_end2:
_tile_overlayer_lowered:
.L_overlay_start_2:
0x182: {  	(tag) =	ssettag $0x2  }
0x183: {  	s0 =	rddreg [dreg:$0x0];
	s2 =	stileid.u32  }
0x184: {  	s1 =	rddreg [dreg:$0x1];
	p0 =	sne.s32 s2, $0x0  }
0x185: {  	s3 =	rddreg [dreg:$0x2];
	[bflag:$0x3] =	sbarrier.arrive $0xFFFF;
	s2 =	simm.s32 @!p0 $0x1C05  }
0x186: {  	[timem:s3], [sflag:s2] =	dma.local @!p0 [hbm:s0], s1  }
0x187: {  	s0 =	simm.s32 @!p0 $0x5  }
0x188: {  	_ =	swait.ge @!p0 [sflag:s0], s1  }
0x189: {  	s1 =	ssub.s32 @!p0 $0x0, s1;
	[sflag:s0] =	ssyncset.done @!p0 $0x0  }
0x18a: {  	[sflag:s0] =	ssyncadd.s32 @!p0 s1  }
0x18b: {  	[bflag:$0x3] =	sbarrier.arrive $0xFFFF  }
0x18c: {  	_ =	shalt  }

</sc_bundles>
